<compile_context>
chip_gen: v7x
topology: tpu7x:2x2x1
jax: 0.10.2.dev20260603
libtpu: 0.0.44.dev20260713+nightly
codegen_flags: <defaults>
</compile_context>

<pallas_src>
import jax
import jax.numpy as jnp
from jax import lax
from jax.experimental import pallas as pl
from jax.experimental.pallas import tpu as pltpu
from jax.experimental.pallas import tpu_sc as plsc

B = 16
N_IN = 65536
N_OUT = 16384
PD = 3
FD = 64
OD = PD + FD
NS = 16
L = 16
HALF_IN = N_IN // 2
H0_PLANES = 34
IDX_STAGE = 8192
PLIST = N_OUT + L


def _sc_body(pts_hbm, ft_hbm, idx_hbm, out_hbm,
             bufA, bufB, idxb, plist, obuf, semA, semB, osem):
    c = lax.axis_index("c")
    s = lax.axis_index("s")
    wid = c * NS + s
    b = wid // 2
    half = wid % 2
    ntasks = H0_PLANES - half

    def part_chunk(cnk, offs):
        pltpu.sync_copy(idx_hbm.at[b, pl.ds(cnk * IDX_STAGE, IDX_STAGE)], idxb)

        @plsc.parallel_loop(0, IDX_STAGE // L, unroll=4, carry=offs)
        def part(i, offs):
            off_lo, off_hi = offs
            iv = idxb[pl.ds(i * L, L)]
            pos = lax.iota(jnp.int32, L) + (cnk * IDX_STAGE + i * L)
            packed = (pos << 18) | iv
            mlo = iv < HALF_IN
            plsc.store_compressed(plist.at[pl.ds(off_lo, L)], packed, mask=mlo)
            nlo = plsc.all_reduce_population_count(mlo)[0]
            mhi = jnp.logical_not(mlo)
            nhi = L - nlo
            plsc.store_compressed(
                plist.at[pl.ds(N_OUT - off_hi - nhi, L)], packed, mask=mhi)
            return off_lo + nlo, off_hi + nhi

        return part

    off_lo, off_hi = part_chunk(0, (jnp.int32(0), jnp.int32(0)))
    off_lo, off_hi = part_chunk(1, (off_lo, off_hi))
    lo_cnt = off_lo
    lo_vregs = (lo_cnt + L - 1) // L
    hi_vreg0 = lo_cnt // L
    n_vregs = N_OUT // L

    def load_half(p, hbuf, which, sem):
        @pl.when(p < PD)
        def _():
            pltpu.async_copy(
                pts_hbm.at[p * B + b, pl.ds(which * HALF_IN, HALF_IN)],
                hbuf, sem)

        @pl.when(p >= PD)
        def _():
            pltpu.async_copy(
                ft_hbm.at[b * FD + (p - PD), pl.ds(which * HALF_IN, HALF_IN)],
                hbuf, sem)

    def gather_pass(hbuf, ob, lo, start, stop):
        obase = ob * N_OUT

        @plsc.parallel_loop(start, stop, unroll=16)
        def _g(i):
            packed = plist[pl.ds(i * L, L)]
            local = packed & jnp.int32(HALF_IN - 1)
            hibit = packed & jnp.int32(HALF_IN)
            v = plsc.load_gather(hbuf, [local])
            v = jnp.where(v != v, 0.0, v)
            pos = lax.shift_right_logical(packed, 18) + obase
            m = (hibit == 0) if lo else (hibit != 0)
            plsc.store_scatter(obuf, [pos], v, mask=m)

    p0 = half * H0_PLANES
    load_half(p0, bufA, 0, semA)
    load_half(p0, bufB, 1, semB)

    def task_body(t, _):
        p = half * H0_PLANES + t
        ob = t % 2

        @pl.when(t >= 2)
        def _():
            pltpu.make_async_copy(
                out_hbm.at[0, 0], obuf.at[pl.ds(0, N_OUT)], osem).wait()

        pltpu.make_async_copy(ft_hbm.at[0, pl.ds(0, HALF_IN)], bufA, semA).wait()
        gather_pass(bufA, ob, True, 0, lo_vregs)
        @pl.when(t + 1 < ntasks)
        def _():
            load_half(half * H0_PLANES + t + 1, bufA, 0, semA)

        pltpu.make_async_copy(ft_hbm.at[0, pl.ds(0, HALF_IN)], bufB, semB).wait()
        gather_pass(bufB, ob, False, hi_vreg0, n_vregs)

        @pl.when(t + 1 < ntasks)
        def _():
            load_half(half * H0_PLANES + t + 1, bufB, 1, semB)

        pltpu.async_copy(obuf.at[pl.ds(ob * N_OUT, N_OUT)], out_hbm.at[p].at[b], osem)
        return _

    lax.fori_loop(0, ntasks, task_body, None)

    pltpu.make_async_copy(out_hbm.at[0, 0], obuf.at[pl.ds(0, N_OUT)], osem).wait()
    pltpu.make_async_copy(out_hbm.at[0, 0], obuf.at[pl.ds(0, N_OUT)], osem).wait()


@jax.jit
def kernel(points, features, idx):
    pts_pl = points.transpose(2, 0, 1).reshape(PD * B, N_IN)
    ft = features.transpose(0, 2, 1).reshape(B * FD, N_IN)
    idx2 = idx.astype(jnp.int32)
    mesh = plsc.VectorSubcoreMesh(core_axis_name="c", subcore_axis_name="s")
    out = pl.kernel(
        _sc_body,
        out_type=jax.ShapeDtypeStruct((OD, B, N_OUT), jnp.float32),
        mesh=mesh,
        compiler_params=pltpu.CompilerParams(needs_layout_passes=False),
        scratch_types=[
            pltpu.VMEM((HALF_IN,), jnp.float32),
            pltpu.VMEM((HALF_IN,), jnp.float32),
            pltpu.VMEM((IDX_STAGE,), jnp.int32),
            pltpu.VMEM((PLIST,), jnp.int32),
            pltpu.VMEM((2 * N_OUT,), jnp.float32),
            pltpu.SemaphoreType.DMA,
            pltpu.SemaphoreType.DMA,
            pltpu.SemaphoreType.DMA,
        ],
    )(pts_pl, ft, idx2)
    return out.transpose(1, 2, 0)

# --- scband reference (transcript-rebuilt; emitter-appended) ---
"""Pipeline reference for scband-downsample-36902359007411 (READ-ONLY COPY).

The authoritative reference and input builder live on the scoring server;
editing this copy changes nothing except your own understanding.
"""

import jax, jax.numpy as jnp
import numpy as np

N_POINTS_OUT = 16384


def setup_inputs(seed: int = 0) -> dict:
    key = jax.random.key(seed)
    k1, k2, k3 = jax.random.split(key, 3)
    points = jax.random.normal(k1, (16, 65536, 3), dtype=jnp.float32)
    features = jax.random.normal(k2, (16, 65536, 64), dtype=jnp.float32)
    # random downsample indices (RANDOM mode in the original Cloud.downsample)
    idx = jax.random.randint(k3, (16, N_POINTS_OUT), 0, 65536)
    return {"points": points, "features": features, "idx": idx}


def reference(points, features, idx):
    # Original module first drops NaN points per batch element.  With valid
    # (finite) inputs the NaN mask keeps every point, so the filtering step is
    # the identity; we emulate it by zeroing-out any NaNs defensively so the
    # math matches the torch path on finite inputs.
    points = jnp.where(jnp.isnan(points), 0.0, points)
    features = jnp.where(jnp.isnan(features), 0.0, features)
    # Cloud.downsample(n_points, RANDOM): gather n_points random indices from
    # every tensor stored in the cloud (coordinates and features).
    p_ds = jnp.take_along_axis(points, idx[:, :, None], axis=1)
    f_ds = jnp.take_along_axis(features, idx[:, :, None], axis=1)
    # pack coordinates and features into one array [B, n_points, 3 + F]
    return jnp.concatenate([p_ds, f_ds], axis=-1)

if __name__ == "__main__":
    import jax
    _d = setup_inputs()
    print(jax.jit(kernel)(*tuple(_d.values())))

</pallas_src>

<mosaic_0001>
#map = affine_map<(d0, d1) -> (0, 0)>
#map1 = affine_map<(d0, d1) -> (0, 0, 0)>
module attributes {stable_mosaic.version = 14 : i64} {
  func.func @_sc_body(%arg0: i32, %arg1: i32, %arg2: memref<48x65536xf32, #tpu.memory_space<hbm>>, %arg3: memref<1024x65536xf32, #tpu.memory_space<hbm>>, %arg4: memref<16x16384xi32, #tpu.memory_space<hbm>>, %arg5: memref<67x16x16384xf32, #tpu.memory_space<hbm>>, %arg6: memref<32768xf32, #tpu.memory_space<vmem>>, %arg7: memref<32768xf32, #tpu.memory_space<vmem>>, %arg8: memref<8192xi32, #tpu.memory_space<vmem>>, %arg9: memref<16400xi32, #tpu.memory_space<vmem>>, %arg10: memref<32768xf32, #tpu.memory_space<vmem>>, %arg11: memref<!tpu.dma_semaphore, #tpu.memory_space<semaphore_mem>>, %arg12: memref<!tpu.dma_semaphore, #tpu.memory_space<semaphore_mem>>, %arg13: memref<!tpu.dma_semaphore, #tpu.memory_space<semaphore_mem>>) attributes {dimension_semantics = [#tpu.dimension_semantics<core_parallel>, #tpu.dimension_semantics<subcore_parallel>], iteration_bounds = array<i64: 2, 16>, scalar_prefetch = 0 : i64, scratch_operands = 8 : i64, tpu.core_type = #tpu.core_type<sc_vector_subcore>, window_params = [{transform_indices = #map}, {transform_indices = #map}, {transform_indices = #map}, {transform_indices = #map1}]} {
    %mul3A = arith.constant 16 : i32
    %mul3A_0 = arith.muli %arg0, %mul3A : i32
    %add3A = arith.addi %mul3A_0, %arg1 : i32
    %jit3A = arith.constant 2 : i32
    %div3A = arith.divsi %add3A, %jit3A : i32
    %sign3A = arith.constant 0 : i32
    %sign3A_1 = arith.cmpi sgt, %add3A, %sign3A : i32
    %sign3A_2 = arith.extui %sign3A_1 : i1 to i32
    %sign3A_3 = arith.constant 0 : i32
    %sign3A_4 = arith.cmpi slt, %add3A, %sign3A_3 : i32
    %sign3A_5 = arith.extui %sign3A_4 : i1 to i32
    %sign3A_6 = arith.subi %sign3A_2, %sign3A_5 : i32
    %sign3A_7 = arith.constant 0 : i32
    %sign3A_8 = arith.cmpi sgt, %jit3A, %sign3A_7 : i32
    %sign3A_9 = arith.extui %sign3A_8 : i1 to i32
    %sign3A_10 = arith.constant 0 : i32
    %sign3A_11 = arith.cmpi slt, %jit3A, %sign3A_10 : i32
    %sign3A_12 = arith.extui %sign3A_11 : i1 to i32
    %sign3A_13 = arith.subi %sign3A_9, %sign3A_12 : i32
    %ne3A = arith.cmpi ne, %sign3A_6, %sign3A_13 : i32
    %rem3A = arith.remsi %add3A, %jit3A : i32
    %ne3A_14 = arith.constant 0 : i32
    %ne3A_15 = arith.cmpi ne, %rem3A, %ne3A_14 : i32
    %and3A = arith.andi %ne3A, %ne3A_15 : i1
    %sub3A = arith.constant 1 : i32
    %sub3A_16 = arith.subi %div3A, %sub3A : i32
    %select_n3A = arith.select %and3A, %sub3A_16, %div3A : i32
    %jit3A_17 = arith.constant 2 : i32
    %eq3A = arith.constant 0 : i32
    %eq3A_18 = arith.cmpi eq, %jit3A_17, %eq3A : i32
    %jit3A_19 = arith.constant 1 : i32
    %select_n3A_20 = arith.select %eq3A_18, %jit3A_19, %jit3A_17 : i32
    %rem3A_21 = arith.remsi %add3A, %select_n3A_20 : i32
    %ne3A_22 = arith.constant 0 : i32
    %ne3A_23 = arith.cmpi ne, %rem3A_21, %ne3A_22 : i32
    %lt3A = arith.constant 0 : i32
    %lt3A_24 = arith.cmpi slt, %rem3A_21, %lt3A : i32
    %lt3A_25 = arith.constant 0 : i32
    %lt3A_26 = arith.cmpi slt, %select_n3A_20, %lt3A_25 : i32
    %ne3A_27 = arith.xori %lt3A_24, %lt3A_26 : i1
    %and3A_28 = arith.andi %ne3A_27, %ne3A_23 : i1
    %add3A_29 = arith.addi %rem3A_21, %select_n3A_20 : i32
    %select_n3A_30 = arith.select %and3A_28, %add3A_29, %rem3A_21 : i32
    %sub3A_31 = arith.constant 34 : i32
    %sub3A_32 = arith.subi %sub3A_31, %select_n3A_30 : i32
    "tpu.region"() ({
      %run_scoped3A = tpu.sem_alloc : memref<!tpu.dma_semaphore, #tpu.memory_space<semaphore_mem>>
      %dma_start3A = arith.constant 0 : i32
      %dma_start3A_144 = tpu.memref_slice %arg4[%select_n3A, %dma_start3A] : memref<16x16384xi32, #tpu.memory_space<hbm>> -> memref<1x8192xi32, #tpu.memory_space<hbm>>
      %dma_start3A_145 = tpu.memref_squeeze %dma_start3A_144 : memref<1x8192xi32, #tpu.memory_space<hbm>> -> memref<8192xi32, #tpu.memory_space<hbm>>
      %dma_start3A_146 = arith.constant 0 : i32
      %dma_start3A_147 = tpu.memref_slice %arg4[%select_n3A, %dma_start3A_146] : memref<16x16384xi32, #tpu.memory_space<hbm>> -> memref<1x8192xi32, #tpu.memory_space<hbm>>
      %dma_start3A_148 = tpu.memref_squeeze %dma_start3A_147 : memref<1x8192xi32, #tpu.memory_space<hbm>> -> memref<8192xi32, #tpu.memory_space<hbm>>
      tpu.enqueue_dma source(%dma_start3A_148 : memref<8192xi32, #tpu.memory_space<hbm>>) target(%arg8 : memref<8192xi32, #tpu.memory_space<vmem>>) target_semaphore(%run_scoped3A : memref<!tpu.dma_semaphore, #tpu.memory_space<semaphore_mem>>)
      %dma_wait3A_149 = arith.constant 0 : i32
      %dma_wait3A_150 = tpu.memref_slice %arg4[%select_n3A, %dma_wait3A_149] : memref<16x16384xi32, #tpu.memory_space<hbm>> -> memref<1x8192xi32, #tpu.memory_space<hbm>>
      %dma_wait3A_151 = tpu.memref_squeeze %dma_wait3A_150 : memref<1x8192xi32, #tpu.memory_space<hbm>> -> memref<8192xi32, #tpu.memory_space<hbm>>
      %dma_wait3A_152 = arith.constant 0 : i32
      %dma_wait3A_153 = tpu.memref_slice %arg4[%select_n3A, %dma_wait3A_152] : memref<16x16384xi32, #tpu.memory_space<hbm>> -> memref<1x8192xi32, #tpu.memory_space<hbm>>
      %dma_wait3A_154 = tpu.memref_squeeze %dma_wait3A_153 : memref<1x8192xi32, #tpu.memory_space<hbm>> -> memref<8192xi32, #tpu.memory_space<hbm>>
      tpu.wait_dma2 semaphore(%run_scoped3A : memref<!tpu.dma_semaphore, #tpu.memory_space<semaphore_mem>>) src(%dma_wait3A_154 : memref<8192xi32, #tpu.memory_space<hbm>>) dst(%arg8 : memref<8192xi32, #tpu.memory_space<vmem>>)
      tpu.yield
    }) : () -> ()
    %parallel_loop3A = arith.constant 0 : i32
    %parallel_loop3A_33 = arith.constant 512 : i32
    %parallel_loop3A_34 = arith.constant 1 : i32
    %parallel_loop3A_35 = arith.constant 0 : i32
    %parallel_loop3A_36 = arith.constant 0 : i32
    %parallel_loop3A_37:2 = scf.for %parallel_loop3A_144 = %parallel_loop3A to %parallel_loop3A_33 step %parallel_loop3A_34 iter_args(%parallel_loop3A_145 = %parallel_loop3A_35, %parallel_loop3A_146 = %parallel_loop3A_36) -> (i32, i32)  : i32 {
      %parallel_loop3A_147 = arith.constant 16 : i32
      %parallel_loop3A_148 = arith.muli %parallel_loop3A_144, %parallel_loop3A_147 : i32
      %parallel_loop3A_149 = arith.index_cast %parallel_loop3A_148 : i32 to index
      %parallel_loop3A_150 = tpu.vector_load %arg8[%parallel_loop3A_149] {strides = array<i32>} : memref<8192xi32, #tpu.memory_space<vmem>>, vector<16xi32>,
      %parallel_loop3A_151 = tpu.iota {dimensions = array<i32: 0>} : vector<16xi32>
      %parallel_loop3A_152 = arith.constant 16 : i32
      %parallel_loop3A_153 = arith.muli %parallel_loop3A_144, %parallel_loop3A_152 : i32
      %parallel_loop3A_154 = arith.constant 0 : i32
      %parallel_loop3A_155 = arith.addi %parallel_loop3A_154, %parallel_loop3A_153 : i32
      %parallel_loop3A_156 = vector.broadcast %parallel_loop3A_155 : i32 to vector<16xi32>
      %parallel_loop3A_157 = arith.addi %parallel_loop3A_151, %parallel_loop3A_156 : vector<16xi32>
      %parallel_loop3A_158 = arith.constant 18 : i32
      %parallel_loop3A_159 = vector.broadcast %parallel_loop3A_158 : i32 to vector<16xi32>
      %parallel_loop3A_160 = arith.shli %parallel_loop3A_157, %parallel_loop3A_159 : vector<16xi32>
      %parallel_loop3A_161 = arith.ori %parallel_loop3A_160, %parallel_loop3A_150 : vector<16xi32>
      %parallel_loop3A_162 = arith.constant 32768 : i32
      %parallel_loop3A_163 = vector.broadcast %parallel_loop3A_162 : i32 to vector<16xi32>
      %parallel_loop3A_164 = arith.cmpi slt, %parallel_loop3A_150, %parallel_loop3A_163 : vector<16xi32>
      %parallel_loop3A_165 = arith.index_cast %parallel_loop3A_145 : i32 to index
      %parallel_loop3A_166 = tpu.vector_load %arg9[%parallel_loop3A_165] masked %parallel_loop3A_164 {strides = array<i32>} : memref<16400xi32, #tpu.memory_space<vmem>>, vector<16xi32>, vector<16xi1>
      tpu.vector_store %arg9[%parallel_loop3A_165], %parallel_loop3A_161 masked %parallel_loop3A_164 {strides = array<i32>} : memref<16400xi32, #tpu.memory_space<vmem>>, vector<16xi32>, vector<16xi1>
      %parallel_loop3A_167 = tpu.all_reduce %parallel_loop3A_164 {dim = 0 : i64, kind = #tpu.reduction_kind<sum>} : vector<16xi1> -> vector<16xi32>
      %parallel_loop3A_168 = vector.extract_strided_slice %parallel_loop3A_167 {offsets = [0], sizes = [1], strides = [1]} : vector<16xi32> to vector<1xi32>
      %parallel_loop3A_169 = vector.extract %parallel_loop3A_168[0] : i32 from vector<1xi32>
      %parallel_loop3A_170 = arith.constant dense<true> : vector<16xi1>
      %parallel_loop3A_171 = arith.xori %parallel_loop3A_164, %parallel_loop3A_170 : vector<16xi1>
      %parallel_loop3A_172 = arith.constant 16 : i32
      %parallel_loop3A_173 = arith.subi %parallel_loop3A_172, %parallel_loop3A_169 : i32
      %parallel_loop3A_174 = arith.constant 16384 : i32
      %parallel_loop3A_175 = arith.subi %parallel_loop3A_174, %parallel_loop3A_146 : i32
      %parallel_loop3A_176 = arith.subi %parallel_loop3A_175, %parallel_loop3A_173 : i32
      %parallel_loop3A_177 = arith.index_cast %parallel_loop3A_176 : i32 to index
      %parallel_loop3A_178 = tpu.vector_load %arg9[%parallel_loop3A_177] masked %parallel_loop3A_171 {strides = array<i32>} : memref<16400xi32, #tpu.memory_space<vmem>>, vector<16xi32>, vector<16xi1>
      tpu.vector_store %arg9[%parallel_loop3A_177], %parallel_loop3A_161 masked %parallel_loop3A_171 {strides = array<i32>} : memref<16400xi32, #tpu.memory_space<vmem>>, vector<16xi32>, vector<16xi1>
      %parallel_loop3A_179 = arith.addi %parallel_loop3A_145, %parallel_loop3A_169 : i32
      %parallel_loop3A_180 = arith.addi %parallel_loop3A_146, %parallel_loop3A_173 : i32
      scf.yield %parallel_loop3A_179, %parallel_loop3A_180 : i32, i32
    } {sc.loop_unroll_factor = 4 : i64, sc.parallel_access}
    "tpu.region"() ({
      %run_scoped3A = tpu.sem_alloc : memref<!tpu.dma_semaphore, #tpu.memory_space<semaphore_mem>>
      %dma_start3A = arith.constant 8192 : i32
      %dma_start3A_144 = tpu.memref_slice %arg4[%select_n3A, %dma_start3A] : memref<16x16384xi32, #tpu.memory_space<hbm>> -> memref<1x8192xi32, #tpu.memory_space<hbm>>
      %dma_start3A_145 = tpu.memref_squeeze %dma_start3A_144 : memref<1x8192xi32, #tpu.memory_space<hbm>> -> memref<8192xi32, #tpu.memory_space<hbm>>
      %dma_start3A_146 = arith.constant 8192 : i32
      %dma_start3A_147 = tpu.memref_slice %arg4[%select_n3A, %dma_start3A_146] : memref<16x16384xi32, #tpu.memory_space<hbm>> -> memref<1x8192xi32, #tpu.memory_space<hbm>>
      %dma_start3A_148 = tpu.memref_squeeze %dma_start3A_147 : memref<1x8192xi32, #tpu.memory_space<hbm>> -> memref<8192xi32, #tpu.memory_space<hbm>>
      tpu.enqueue_dma source(%dma_start3A_148 : memref<8192xi32, #tpu.memory_space<hbm>>) target(%arg8 : memref<8192xi32, #tpu.memory_space<vmem>>) target_semaphore(%run_scoped3A : memref<!tpu.dma_semaphore, #tpu.memory_space<semaphore_mem>>)
      %dma_wait3A_149 = arith.constant 8192 : i32
      %dma_wait3A_150 = tpu.memref_slice %arg4[%select_n3A, %dma_wait3A_149] : memref<16x16384xi32, #tpu.memory_space<hbm>> -> memref<1x8192xi32, #tpu.memory_space<hbm>>
      %dma_wait3A_151 = tpu.memref_squeeze %dma_wait3A_150 : memref<1x8192xi32, #tpu.memory_space<hbm>> -> memref<8192xi32, #tpu.memory_space<hbm>>
      %dma_wait3A_152 = arith.constant 8192 : i32
      %dma_wait3A_153 = tpu.memref_slice %arg4[%select_n3A, %dma_wait3A_152] : memref<16x16384xi32, #tpu.memory_space<hbm>> -> memref<1x8192xi32, #tpu.memory_space<hbm>>
      %dma_wait3A_154 = tpu.memref_squeeze %dma_wait3A_153 : memref<1x8192xi32, #tpu.memory_space<hbm>> -> memref<8192xi32, #tpu.memory_space<hbm>>
      tpu.wait_dma2 semaphore(%run_scoped3A : memref<!tpu.dma_semaphore, #tpu.memory_space<semaphore_mem>>) src(%dma_wait3A_154 : memref<8192xi32, #tpu.memory_space<hbm>>) dst(%arg8 : memref<8192xi32, #tpu.memory_space<vmem>>)
      tpu.yield
    }) : () -> ()
    %parallel_loop3A_38 = arith.constant 0 : i32
    %parallel_loop3A_39 = arith.constant 512 : i32
    %parallel_loop3A_40 = arith.constant 1 : i32
    %parallel_loop3A_41:2 = scf.for %parallel_loop3A_144 = %parallel_loop3A_38 to %parallel_loop3A_39 step %parallel_loop3A_40 iter_args(%parallel_loop3A_145 = %parallel_loop3A_37#0, %parallel_loop3A_146 = %parallel_loop3A_37#1) -> (i32, i32)  : i32 {
      %parallel_loop3A_147 = arith.constant 16 : i32
      %parallel_loop3A_148 = arith.muli %parallel_loop3A_144, %parallel_loop3A_147 : i32
      %parallel_loop3A_149 = arith.index_cast %parallel_loop3A_148 : i32 to index
      %parallel_loop3A_150 = tpu.vector_load %arg8[%parallel_loop3A_149] {strides = array<i32>} : memref<8192xi32, #tpu.memory_space<vmem>>, vector<16xi32>,
      %parallel_loop3A_151 = tpu.iota {dimensions = array<i32: 0>} : vector<16xi32>
      %parallel_loop3A_152 = arith.constant 16 : i32
      %parallel_loop3A_153 = arith.muli %parallel_loop3A_144, %parallel_loop3A_152 : i32
      %parallel_loop3A_154 = arith.constant 8192 : i32
      %parallel_loop3A_155 = arith.addi %parallel_loop3A_154, %parallel_loop3A_153 : i32
      %parallel_loop3A_156 = vector.broadcast %parallel_loop3A_155 : i32 to vector<16xi32>
      %parallel_loop3A_157 = arith.addi %parallel_loop3A_151, %parallel_loop3A_156 : vector<16xi32>
      %parallel_loop3A_158 = arith.constant 18 : i32
      %parallel_loop3A_159 = vector.broadcast %parallel_loop3A_158 : i32 to vector<16xi32>
      %parallel_loop3A_160 = arith.shli %parallel_loop3A_157, %parallel_loop3A_159 : vector<16xi32>
      %parallel_loop3A_161 = arith.ori %parallel_loop3A_160, %parallel_loop3A_150 : vector<16xi32>
      %parallel_loop3A_162 = arith.constant 32768 : i32
      %parallel_loop3A_163 = vector.broadcast %parallel_loop3A_162 : i32 to vector<16xi32>
      %parallel_loop3A_164 = arith.cmpi slt, %parallel_loop3A_150, %parallel_loop3A_163 : vector<16xi32>
      %parallel_loop3A_165 = arith.index_cast %parallel_loop3A_145 : i32 to index
      %parallel_loop3A_166 = tpu.vector_load %arg9[%parallel_loop3A_165] masked %parallel_loop3A_164 {strides = array<i32>} : memref<16400xi32, #tpu.memory_space<vmem>>, vector<16xi32>, vector<16xi1>
      tpu.vector_store %arg9[%parallel_loop3A_165], %parallel_loop3A_161 masked %parallel_loop3A_164 {strides = array<i32>} : memref<16400xi32, #tpu.memory_space<vmem>>, vector<16xi32>, vector<16xi1>
      %parallel_loop3A_167 = tpu.all_reduce %parallel_loop3A_164 {dim = 0 : i64, kind = #tpu.reduction_kind<sum>} : vector<16xi1> -> vector<16xi32>
      %parallel_loop3A_168 = vector.extract_strided_slice %parallel_loop3A_167 {offsets = [0], sizes = [1], strides = [1]} : vector<16xi32> to vector<1xi32>
      %parallel_loop3A_169 = vector.extract %parallel_loop3A_168[0] : i32 from vector<1xi32>
      %parallel_loop3A_170 = arith.constant dense<true> : vector<16xi1>
      %parallel_loop3A_171 = arith.xori %parallel_loop3A_164, %parallel_loop3A_170 : vector<16xi1>
      %parallel_loop3A_172 = arith.constant 16 : i32
      %parallel_loop3A_173 = arith.subi %parallel_loop3A_172, %parallel_loop3A_169 : i32
      %parallel_loop3A_174 = arith.constant 16384 : i32
      %parallel_loop3A_175 = arith.subi %parallel_loop3A_174, %parallel_loop3A_146 : i32
      %parallel_loop3A_176 = arith.subi %parallel_loop3A_175, %parallel_loop3A_173 : i32
      %parallel_loop3A_177 = arith.index_cast %parallel_loop3A_176 : i32 to index
      %parallel_loop3A_178 = tpu.vector_load %arg9[%parallel_loop3A_177] masked %parallel_loop3A_171 {strides = array<i32>} : memref<16400xi32, #tpu.memory_space<vmem>>, vector<16xi32>, vector<16xi1>
      tpu.vector_store %arg9[%parallel_loop3A_177], %parallel_loop3A_161 masked %parallel_loop3A_171 {strides = array<i32>} : memref<16400xi32, #tpu.memory_space<vmem>>, vector<16xi32>, vector<16xi1>
      %parallel_loop3A_179 = arith.addi %parallel_loop3A_145, %parallel_loop3A_169 : i32
      %parallel_loop3A_180 = arith.addi %parallel_loop3A_146, %parallel_loop3A_173 : i32
      scf.yield %parallel_loop3A_179, %parallel_loop3A_180 : i32, i32
    } {sc.loop_unroll_factor = 4 : i64, sc.parallel_access}
    %add3A_42 = arith.constant 16 : i32
    %add3A_43 = arith.addi %parallel_loop3A_41#0, %add3A_42 : i32
    %sub3A_44 = arith.constant 1 : i32
    %sub3A_45 = arith.subi %add3A_43, %sub3A_44 : i32
    %jit3A_46 = arith.constant 16 : i32
    %div3A_47 = arith.divsi %sub3A_45, %jit3A_46 : i32
    %sign3A_48 = arith.constant 0 : i32
    %sign3A_49 = arith.cmpi sgt, %sub3A_45, %sign3A_48 : i32
    %sign3A_50 = arith.extui %sign3A_49 : i1 to i32
    %sign3A_51 = arith.constant 0 : i32
    %sign3A_52 = arith.cmpi slt, %sub3A_45, %sign3A_51 : i32
    %sign3A_53 = arith.extui %sign3A_52 : i1 to i32
    %sign3A_54 = arith.subi %sign3A_50, %sign3A_53 : i32
    %sign3A_55 = arith.constant 0 : i32
    %sign3A_56 = arith.cmpi sgt, %jit3A_46, %sign3A_55 : i32
    %sign3A_57 = arith.extui %sign3A_56 : i1 to i32
    %sign3A_58 = arith.constant 0 : i32
    %sign3A_59 = arith.cmpi slt, %jit3A_46, %sign3A_58 : i32
    %sign3A_60 = arith.extui %sign3A_59 : i1 to i32
    %sign3A_61 = arith.subi %sign3A_57, %sign3A_60 : i32
    %ne3A_62 = arith.cmpi ne, %sign3A_54, %sign3A_61 : i32
    %rem3A_63 = arith.remsi %sub3A_45, %jit3A_46 : i32
    %ne3A_64 = arith.constant 0 : i32
    %ne3A_65 = arith.cmpi ne, %rem3A_63, %ne3A_64 : i32
    %and3A_66 = arith.andi %ne3A_62, %ne3A_65 : i1
    %sub3A_67 = arith.constant 1 : i32
    %sub3A_68 = arith.subi %div3A_47, %sub3A_67 : i32
    %select_n3A_69 = arith.select %and3A_66, %sub3A_68, %div3A_47 : i32
    %jit3A_70 = arith.constant 16 : i32
    %div3A_71 = arith.divsi %parallel_loop3A_41#0, %jit3A_70 : i32
    %sign3A_72 = arith.constant 0 : i32
    %sign3A_73 = arith.cmpi sgt, %parallel_loop3A_41#0, %sign3A_72 : i32
    %sign3A_74 = arith.extui %sign3A_73 : i1 to i32
    %sign3A_75 = arith.constant 0 : i32
    %sign3A_76 = arith.cmpi slt, %parallel_loop3A_41#0, %sign3A_75 : i32
    %sign3A_77 = arith.extui %sign3A_76 : i1 to i32
    %sign3A_78 = arith.subi %sign3A_74, %sign3A_77 : i32
    %sign3A_79 = arith.constant 0 : i32
    %sign3A_80 = arith.cmpi sgt, %jit3A_70, %sign3A_79 : i32
    %sign3A_81 = arith.extui %sign3A_80 : i1 to i32
    %sign3A_82 = arith.constant 0 : i32
    %sign3A_83 = arith.cmpi slt, %jit3A_70, %sign3A_82 : i32
    %sign3A_84 = arith.extui %sign3A_83 : i1 to i32
    %sign3A_85 = arith.subi %sign3A_81, %sign3A_84 : i32
    %ne3A_86 = arith.cmpi ne, %sign3A_78, %sign3A_85 : i32
    %rem3A_87 = arith.remsi %parallel_loop3A_41#0, %jit3A_70 : i32
    %ne3A_88 = arith.constant 0 : i32
    %ne3A_89 = arith.cmpi ne, %rem3A_87, %ne3A_88 : i32
    %and3A_90 = arith.andi %ne3A_86, %ne3A_89 : i1
    %sub3A_91 = arith.constant 1 : i32
    %sub3A_92 = arith.subi %div3A_71, %sub3A_91 : i32
    %select_n3A_93 = arith.select %and3A_90, %sub3A_92, %div3A_71 : i32
    %mul3A_94 = arith.constant 34 : i32
    %mul3A_95 = arith.muli %select_n3A_30, %mul3A_94 : i32
    %lt3A_96 = arith.constant 3 : i32
    %lt3A_97 = arith.cmpi slt, %mul3A_95, %lt3A_96 : i32
    %convert_element_type3A = arith.extui %lt3A_97 : i1 to i32
    %cond3A = arith.constant 0 : i32
    %cond3A_98 = arith.cmpi ne, %convert_element_type3A, %cond3A : i32
    scf.if %cond3A_98 {
      %mul3A_144 = arith.constant 16 : i32
      %mul3A_145 = arith.muli %mul3A_95, %mul3A_144 : i32
      %add3A_146 = arith.addi %mul3A_145, %select_n3A : i32
      %dma_start3A = arith.constant 0 : i32
      %dma_start3A_147 = tpu.memref_slice %arg2[%add3A_146, %dma_start3A] : memref<48x65536xf32, #tpu.memory_space<hbm>> -> memref<1x32768xf32, #tpu.memory_space<hbm>>
      %dma_start3A_148 = tpu.memref_squeeze %dma_start3A_147 : memref<1x32768xf32, #tpu.memory_space<hbm>> -> memref<32768xf32, #tpu.memory_space<hbm>>
      %dma_start3A_149 = arith.constant 0 : i32
      %dma_start3A_150 = tpu.memref_slice %arg2[%add3A_146, %dma_start3A_149] : memref<48x65536xf32, #tpu.memory_space<hbm>> -> memref<1x32768xf32, #tpu.memory_space<hbm>>
      %dma_start3A_151 = tpu.memref_squeeze %dma_start3A_150 : memref<1x32768xf32, #tpu.memory_space<hbm>> -> memref<32768xf32, #tpu.memory_space<hbm>>
      tpu.enqueue_dma source(%dma_start3A_151 : memref<32768xf32, #tpu.memory_space<hbm>>) target(%arg6 : memref<32768xf32, #tpu.memory_space<vmem>>) target_semaphore(%arg11 : memref<!tpu.dma_semaphore, #tpu.memory_space<semaphore_mem>>)
    } else {
    }
    %ge3A = arith.constant 3 : i32
    %ge3A_99 = arith.cmpi sge, %mul3A_95, %ge3A : i32
    %convert_element_type3A_100 = arith.extui %ge3A_99 : i1 to i32
    %cond3A_101 = arith.constant 0 : i32
    %cond3A_102 = arith.cmpi ne, %convert_element_type3A_100, %cond3A_101 : i32
    scf.if %cond3A_102 {
      %mul3A_144 = arith.constant 64 : i32
      %mul3A_145 = arith.muli %select_n3A, %mul3A_144 : i32
      %sub3A_146 = arith.constant 3 : i32
      %sub3A_147 = arith.subi %mul3A_95, %sub3A_146 : i32
      %add3A_148 = arith.addi %mul3A_145, %sub3A_147 : i32
      %dma_start3A = arith.constant 0 : i32
      %dma_start3A_149 = tpu.memref_slice %arg3[%add3A_148, %dma_start3A] : memref<1024x65536xf32, #tpu.memory_space<hbm>> -> memref<1x32768xf32, #tpu.memory_space<hbm>>
      %dma_start3A_150 = tpu.memref_squeeze %dma_start3A_149 : memref<1x32768xf32, #tpu.memory_space<hbm>> -> memref<32768xf32, #tpu.memory_space<hbm>>
      %dma_start3A_151 = arith.constant 0 : i32
      %dma_start3A_152 = tpu.memref_slice %arg3[%add3A_148, %dma_start3A_151] : memref<1024x65536xf32, #tpu.memory_space<hbm>> -> memref<1x32768xf32, #tpu.memory_space<hbm>>
      %dma_start3A_153 = tpu.memref_squeeze %dma_start3A_152 : memref<1x32768xf32, #tpu.memory_space<hbm>> -> memref<32768xf32, #tpu.memory_space<hbm>>
      tpu.enqueue_dma source(%dma_start3A_153 : memref<32768xf32, #tpu.memory_space<hbm>>) target(%arg6 : memref<32768xf32, #tpu.memory_space<vmem>>) target_semaphore(%arg11 : memref<!tpu.dma_semaphore, #tpu.memory_space<semaphore_mem>>)
    } else {
    }
    %lt3A_103 = arith.constant 3 : i32
    %lt3A_104 = arith.cmpi slt, %mul3A_95, %lt3A_103 : i32
    %convert_element_type3A_105 = arith.extui %lt3A_104 : i1 to i32
    %cond3A_106 = arith.constant 0 : i32
    %cond3A_107 = arith.cmpi ne, %convert_element_type3A_105, %cond3A_106 : i32
    scf.if %cond3A_107 {
      %mul3A_144 = arith.constant 16 : i32
      %mul3A_145 = arith.muli %mul3A_95, %mul3A_144 : i32
      %add3A_146 = arith.addi %mul3A_145, %select_n3A : i32
      %dma_start3A = arith.constant 32768 : i32
      %dma_start3A_147 = tpu.memref_slice %arg2[%add3A_146, %dma_start3A] : memref<48x65536xf32, #tpu.memory_space<hbm>> -> memref<1x32768xf32, #tpu.memory_space<hbm>>
      %dma_start3A_148 = tpu.memref_squeeze %dma_start3A_147 : memref<1x32768xf32, #tpu.memory_space<hbm>> -> memref<32768xf32, #tpu.memory_space<hbm>>
      %dma_start3A_149 = arith.constant 32768 : i32
      %dma_start3A_150 = tpu.memref_slice %arg2[%add3A_146, %dma_start3A_149] : memref<48x65536xf32, #tpu.memory_space<hbm>> -> memref<1x32768xf32, #tpu.memory_space<hbm>>
      %dma_start3A_151 = tpu.memref_squeeze %dma_start3A_150 : memref<1x32768xf32, #tpu.memory_space<hbm>> -> memref<32768xf32, #tpu.memory_space<hbm>>
      tpu.enqueue_dma source(%dma_start3A_151 : memref<32768xf32, #tpu.memory_space<hbm>>) target(%arg7 : memref<32768xf32, #tpu.memory_space<vmem>>) target_semaphore(%arg12 : memref<!tpu.dma_semaphore, #tpu.memory_space<semaphore_mem>>)
    } else {
    }
    %ge3A_108 = arith.constant 3 : i32
    %ge3A_109 = arith.cmpi sge, %mul3A_95, %ge3A_108 : i32
    %convert_element_type3A_110 = arith.extui %ge3A_109 : i1 to i32
    %cond3A_111 = arith.constant 0 : i32
    %cond3A_112 = arith.cmpi ne, %convert_element_type3A_110, %cond3A_111 : i32
    scf.if %cond3A_112 {
      %mul3A_144 = arith.constant 64 : i32
      %mul3A_145 = arith.muli %select_n3A, %mul3A_144 : i32
      %sub3A_146 = arith.constant 3 : i32
      %sub3A_147 = arith.subi %mul3A_95, %sub3A_146 : i32
      %add3A_148 = arith.addi %mul3A_145, %sub3A_147 : i32
      %dma_start3A = arith.constant 32768 : i32
      %dma_start3A_149 = tpu.memref_slice %arg3[%add3A_148, %dma_start3A] : memref<1024x65536xf32, #tpu.memory_space<hbm>> -> memref<1x32768xf32, #tpu.memory_space<hbm>>
      %dma_start3A_150 = tpu.memref_squeeze %dma_start3A_149 : memref<1x32768xf32, #tpu.memory_space<hbm>> -> memref<32768xf32, #tpu.memory_space<hbm>>
      %dma_start3A_151 = arith.constant 32768 : i32
      %dma_start3A_152 = tpu.memref_slice %arg3[%add3A_148, %dma_start3A_151] : memref<1024x65536xf32, #tpu.memory_space<hbm>> -> memref<1x32768xf32, #tpu.memory_space<hbm>>
      %dma_start3A_153 = tpu.memref_squeeze %dma_start3A_152 : memref<1x32768xf32, #tpu.memory_space<hbm>> -> memref<32768xf32, #tpu.memory_space<hbm>>
      tpu.enqueue_dma source(%dma_start3A_153 : memref<32768xf32, #tpu.memory_space<hbm>>) target(%arg7 : memref<32768xf32, #tpu.memory_space<vmem>>) target_semaphore(%arg12 : memref<!tpu.dma_semaphore, #tpu.memory_space<semaphore_mem>>)
    } else {
    }
    %while3A = arith.constant 0 : i32
    %while3A_113 = arith.subi %sub3A_32, %while3A : i32
    %while3A_114 = arith.addi %while3A, %while3A_113 : i32
    %while3A_115 = arith.constant 1 : i32
    %while3A_116 = arith.divsi %while3A_113, %while3A_115 : i32
    %while3A_117 = arith.muli %while3A_116, %while3A_115 : i32
    %while3A_118 = arith.addi %while3A, %while3A_117 : i32
    %while3A_119 = arith.constant 1 : i32
    scf.for %while3A_144 = %while3A to %while3A_118 step %while3A_119  : i32 {
      %mul3A_145 = arith.constant 34 : i32
      %mul3A_146 = arith.muli %select_n3A_30, %mul3A_145 : i32
      %add3A_147 = arith.addi %mul3A_146, %while3A_144 : i32
      %jit3A_148 = arith.constant 2 : i32
      %eq3A_149 = arith.constant 0 : i32
      %eq3A_150 = arith.cmpi eq, %jit3A_148, %eq3A_149 : i32
      %jit3A_151 = arith.constant 1 : i32
      %select_n3A_152 = arith.select %eq3A_150, %jit3A_151, %jit3A_148 : i32
      %rem3A_153 = arith.remsi %while3A_144, %select_n3A_152 : i32
      %ne3A_154 = arith.constant 0 : i32
      %ne3A_155 = arith.cmpi ne, %rem3A_153, %ne3A_154 : i32
      %lt3A_156 = arith.constant 0 : i32
      %lt3A_157 = arith.cmpi slt, %rem3A_153, %lt3A_156 : i32
      %lt3A_158 = arith.constant 0 : i32
      %lt3A_159 = arith.cmpi slt, %select_n3A_152, %lt3A_158 : i32
      %ne3A_160 = arith.xori %lt3A_157, %lt3A_159 : i1
      %and3A_161 = arith.andi %ne3A_160, %ne3A_155 : i1
      %add3A_162 = arith.addi %rem3A_153, %select_n3A_152 : i32
      %select_n3A_163 = arith.select %and3A_161, %add3A_162, %rem3A_153 : i32
      %ge3A_164 = arith.constant 2 : i32
      %ge3A_165 = arith.cmpi sge, %while3A_144, %ge3A_164 : i32
      %convert_element_type3A_166 = arith.extui %ge3A_165 : i1 to i32
      %cond3A_167 = arith.constant 0 : i32
      %cond3A_168 = arith.cmpi ne, %convert_element_type3A_166, %cond3A_167 : i32
      scf.if %cond3A_168 {
        %dma_wait3A_220 = arith.constant 0 : i32
        %dma_wait3A_221 = arith.constant 0 : i32
        %dma_wait3A_222 = arith.constant 0 : i32
        %dma_wait3A_223 = tpu.memref_slice %arg10[%dma_wait3A_222] : memref<32768xf32, #tpu.memory_space<vmem>> -> memref<16384xf32, #tpu.memory_space<vmem>>
        %dma_wait3A_224 = arith.constant 0 : i32
        %dma_wait3A_225 = tpu.memref_slice %arg5[%dma_wait3A_220, %dma_wait3A_221, %dma_wait3A_224] : memref<67x16x16384xf32, #tpu.memory_space<hbm>> -> memref<1x1x16384xf32, #tpu.memory_space<hbm>>
        %dma_wait3A_226 = tpu.memref_squeeze %dma_wait3A_225 : memref<1x1x16384xf32, #tpu.memory_space<hbm>> -> memref<16384xf32, #tpu.memory_space<hbm>>
        %dma_wait3A_227 = arith.constant 0 : i32
        %dma_wait3A_228 = tpu.memref_slice %arg10[%dma_wait3A_227] : memref<32768xf32, #tpu.memory_space<vmem>> -> memref<16384xf32, #tpu.memory_space<vmem>>
        %dma_wait3A_229 = arith.constant 0 : i32
        %dma_wait3A_230 = tpu.memref_slice %arg5[%dma_wait3A_220, %dma_wait3A_221, %dma_wait3A_229] : memref<67x16x16384xf32, #tpu.memory_space<hbm>> -> memref<1x1x16384xf32, #tpu.memory_space<hbm>>
        %dma_wait3A_231 = tpu.memref_squeeze %dma_wait3A_230 : memref<1x1x16384xf32, #tpu.memory_space<hbm>> -> memref<16384xf32, #tpu.memory_space<hbm>>
        tpu.wait_dma2 semaphore(%arg13 : memref<!tpu.dma_semaphore, #tpu.memory_space<semaphore_mem>>) src(%dma_wait3A_231 : memref<16384xf32, #tpu.memory_space<hbm>>) dst(%dma_wait3A_228 : memref<16384xf32, #tpu.memory_space<vmem>>)
      } else {
      }
      %dma_wait3A_169 = arith.constant 0 : i32
      %dma_wait3A_170 = arith.constant 0 : i32
      %dma_wait3A_171 = tpu.memref_slice %arg3[%dma_wait3A_169, %dma_wait3A_170] : memref<1024x65536xf32, #tpu.memory_space<hbm>> -> memref<1x32768xf32, #tpu.memory_space<hbm>>
      %dma_wait3A_172 = tpu.memref_squeeze %dma_wait3A_171 : memref<1x32768xf32, #tpu.memory_space<hbm>> -> memref<32768xf32, #tpu.memory_space<hbm>>
      %dma_wait3A_173 = arith.constant 0 : i32
      %dma_wait3A_174 = tpu.memref_slice %arg3[%dma_wait3A_169, %dma_wait3A_173] : memref<1024x65536xf32, #tpu.memory_space<hbm>> -> memref<1x32768xf32, #tpu.memory_space<hbm>>
      %dma_wait3A_175 = tpu.memref_squeeze %dma_wait3A_174 : memref<1x32768xf32, #tpu.memory_space<hbm>> -> memref<32768xf32, #tpu.memory_space<hbm>>
      tpu.wait_dma2 semaphore(%arg11 : memref<!tpu.dma_semaphore, #tpu.memory_space<semaphore_mem>>) src(%dma_wait3A_175 : memref<32768xf32, #tpu.memory_space<hbm>>) dst(%arg6 : memref<32768xf32, #tpu.memory_space<vmem>>)
      %mul3A_176 = arith.constant 16384 : i32
      %mul3A_177 = arith.muli %select_n3A_163, %mul3A_176 : i32
      %parallel_loop3A_178 = arith.constant 0 : i32
      %parallel_loop3A_179 = arith.constant 1 : i32
      scf.for %parallel_loop3A_220 = %parallel_loop3A_178 to %select_n3A_69 step %parallel_loop3A_179  : i32 {
        %parallel_loop3A_221 = arith.constant 16 : i32
        %parallel_loop3A_222 = arith.muli %parallel_loop3A_220, %parallel_loop3A_221 : i32
        %parallel_loop3A_223 = arith.index_cast %parallel_loop3A_222 : i32 to index
        %parallel_loop3A_224 = tpu.vector_load %arg9[%parallel_loop3A_223] {strides = array<i32>} : memref<16400xi32, #tpu.memory_space<vmem>>, vector<16xi32>,
        %parallel_loop3A_225 = arith.constant 32767 : i32
        %parallel_loop3A_226 = vector.broadcast %parallel_loop3A_225 : i32 to vector<16xi32>
        %parallel_loop3A_227 = arith.andi %parallel_loop3A_224, %parallel_loop3A_226 : vector<16xi32>
        %parallel_loop3A_228 = arith.constant 32768 : i32
        %parallel_loop3A_229 = vector.broadcast %parallel_loop3A_228 : i32 to vector<16xi32>
        %parallel_loop3A_230 = arith.andi %parallel_loop3A_224, %parallel_loop3A_229 : vector<16xi32>
        %parallel_loop3A_231 = tpu.vector_load_idx %arg6[%parallel_loop3A_227] : memref<32768xf32, #tpu.memory_space<vmem>>[vector<16xi32>], vector<16xf32>,
        %parallel_loop3A_232 = arith.cmpf one, %parallel_loop3A_231, %parallel_loop3A_231 : vector<16xf32>
        %parallel_loop3A_233 = arith.constant 0.000000e+00 : f32
        %parallel_loop3A_234 = vector.broadcast %parallel_loop3A_233 : f32 to vector<16xf32>
        %parallel_loop3A_235 = arith.select %parallel_loop3A_232, %parallel_loop3A_234, %parallel_loop3A_231 : vector<16xi1>, vector<16xf32>
        %parallel_loop3A_236 = arith.constant 18 : i32
        %parallel_loop3A_237 = vector.broadcast %parallel_loop3A_236 : i32 to vector<16xi32>
        %parallel_loop3A_238 = arith.shrui %parallel_loop3A_224, %parallel_loop3A_237 : vector<16xi32>
        %parallel_loop3A_239 = vector.broadcast %mul3A_177 : i32 to vector<16xi32>
        %parallel_loop3A_240 = arith.addi %parallel_loop3A_238, %parallel_loop3A_239 : vector<16xi32>
        %parallel_loop3A_241 = arith.constant 0 : i32
        %parallel_loop3A_242 = vector.broadcast %parallel_loop3A_241 : i32 to vector<16xi32>
        %parallel_loop3A_243 = arith.cmpi eq, %parallel_loop3A_230, %parallel_loop3A_242 : vector<16xi32>
        tpu.vector_store_idx %arg10[%parallel_loop3A_240], %parallel_loop3A_235 masked %parallel_loop3A_243 : memref<32768xf32, #tpu.memory_space<vmem>>[vector<16xi32>], vector<16xf32>, vector<16xi1>
      } {sc.loop_unroll_factor = 16 : i64, sc.parallel_access}
      %add3A_180 = arith.constant 1 : i32
      %add3A_181 = arith.addi %while3A_144, %add3A_180 : i32
      %lt3A_182 = arith.cmpi slt, %add3A_181, %sub3A_32 : i32
      %convert_element_type3A_183 = arith.extui %lt3A_182 : i1 to i32
      %cond3A_184 = arith.constant 0 : i32
      %cond3A_185 = arith.cmpi ne, %convert_element_type3A_183, %cond3A_184 : i32
      scf.if %cond3A_185 {
        %mul3A_220 = arith.constant 34 : i32
        %mul3A_221 = arith.muli %select_n3A_30, %mul3A_220 : i32
        %add3A_222 = arith.addi %mul3A_221, %while3A_144 : i32
        %add3A_223 = arith.constant 1 : i32
        %add3A_224 = arith.addi %add3A_222, %add3A_223 : i32
        %lt3A_225 = arith.constant 3 : i32
        %lt3A_226 = arith.cmpi slt, %add3A_224, %lt3A_225 : i32
        %convert_element_type3A_227 = arith.extui %lt3A_226 : i1 to i32
        %cond3A_228 = arith.constant 0 : i32
        %cond3A_229 = arith.cmpi ne, %convert_element_type3A_227, %cond3A_228 : i32
        scf.if %cond3A_229 {
          %mul3A_235 = arith.constant 16 : i32
          %mul3A_236 = arith.muli %add3A_224, %mul3A_235 : i32
          %add3A_237 = arith.addi %mul3A_236, %select_n3A : i32
          %dma_start3A_238 = arith.constant 0 : i32
          %dma_start3A_239 = tpu.memref_slice %arg2[%add3A_237, %dma_start3A_238] : memref<48x65536xf32, #tpu.memory_space<hbm>> -> memref<1x32768xf32, #tpu.memory_space<hbm>>
          %dma_start3A_240 = tpu.memref_squeeze %dma_start3A_239 : memref<1x32768xf32, #tpu.memory_space<hbm>> -> memref<32768xf32, #tpu.memory_space<hbm>>
          %dma_start3A_241 = arith.constant 0 : i32
          %dma_start3A_242 = tpu.memref_slice %arg2[%add3A_237, %dma_start3A_241] : memref<48x65536xf32, #tpu.memory_space<hbm>> -> memref<1x32768xf32, #tpu.memory_space<hbm>>
          %dma_start3A_243 = tpu.memref_squeeze %dma_start3A_242 : memref<1x32768xf32, #tpu.memory_space<hbm>> -> memref<32768xf32, #tpu.memory_space<hbm>>
          tpu.enqueue_dma source(%dma_start3A_243 : memref<32768xf32, #tpu.memory_space<hbm>>) target(%arg6 : memref<32768xf32, #tpu.memory_space<vmem>>) target_semaphore(%arg11 : memref<!tpu.dma_semaphore, #tpu.memory_space<semaphore_mem>>)
        } else {
        }
        %ge3A_230 = arith.constant 3 : i32
        %ge3A_231 = arith.cmpi sge, %add3A_224, %ge3A_230 : i32
        %convert_element_type3A_232 = arith.extui %ge3A_231 : i1 to i32
        %cond3A_233 = arith.constant 0 : i32
        %cond3A_234 = arith.cmpi ne, %convert_element_type3A_232, %cond3A_233 : i32
        scf.if %cond3A_234 {
          %mul3A_235 = arith.constant 64 : i32
          %mul3A_236 = arith.muli %select_n3A, %mul3A_235 : i32
          %sub3A_237 = arith.constant 3 : i32
          %sub3A_238 = arith.subi %add3A_224, %sub3A_237 : i32
          %add3A_239 = arith.addi %mul3A_236, %sub3A_238 : i32
          %dma_start3A_240 = arith.constant 0 : i32
          %dma_start3A_241 = tpu.memref_slice %arg3[%add3A_239, %dma_start3A_240] : memref<1024x65536xf32, #tpu.memory_space<hbm>> -> memref<1x32768xf32, #tpu.memory_space<hbm>>
          %dma_start3A_242 = tpu.memref_squeeze %dma_start3A_241 : memref<1x32768xf32, #tpu.memory_space<hbm>> -> memref<32768xf32, #tpu.memory_space<hbm>>
          %dma_start3A_243 = arith.constant 0 : i32
          %dma_start3A_244 = tpu.memref_slice %arg3[%add3A_239, %dma_start3A_243] : memref<1024x65536xf32, #tpu.memory_space<hbm>> -> memref<1x32768xf32, #tpu.memory_space<hbm>>
          %dma_start3A_245 = tpu.memref_squeeze %dma_start3A_244 : memref<1x32768xf32, #tpu.memory_space<hbm>> -> memref<32768xf32, #tpu.memory_space<hbm>>
          tpu.enqueue_dma source(%dma_start3A_245 : memref<32768xf32, #tpu.memory_space<hbm>>) target(%arg6 : memref<32768xf32, #tpu.memory_space<vmem>>) target_semaphore(%arg11 : memref<!tpu.dma_semaphore, #tpu.memory_space<semaphore_mem>>)
        } else {
        }
      } else {
      }
      %dma_wait3A_186 = arith.constant 0 : i32
      %dma_wait3A_187 = arith.constant 0 : i32
      %dma_wait3A_188 = tpu.memref_slice %arg3[%dma_wait3A_186, %dma_wait3A_187] : memref<1024x65536xf32, #tpu.memory_space<hbm>> -> memref<1x32768xf32, #tpu.memory_space<hbm>>
      %dma_wait3A_189 = tpu.memref_squeeze %dma_wait3A_188 : memref<1x32768xf32, #tpu.memory_space<hbm>> -> memref<32768xf32, #tpu.memory_space<hbm>>
      %dma_wait3A_190 = arith.constant 0 : i32
      %dma_wait3A_191 = tpu.memref_slice %arg3[%dma_wait3A_186, %dma_wait3A_190] : memref<1024x65536xf32, #tpu.memory_space<hbm>> -> memref<1x32768xf32, #tpu.memory_space<hbm>>
      %dma_wait3A_192 = tpu.memref_squeeze %dma_wait3A_191 : memref<1x32768xf32, #tpu.memory_space<hbm>> -> memref<32768xf32, #tpu.memory_space<hbm>>
      tpu.wait_dma2 semaphore(%arg12 : memref<!tpu.dma_semaphore, #tpu.memory_space<semaphore_mem>>) src(%dma_wait3A_192 : memref<32768xf32, #tpu.memory_space<hbm>>) dst(%arg7 : memref<32768xf32, #tpu.memory_space<vmem>>)
      %mul3A_193 = arith.constant 16384 : i32
      %mul3A_194 = arith.muli %select_n3A_163, %mul3A_193 : i32
      %parallel_loop3A_195 = arith.constant 1024 : i32
      %parallel_loop3A_196 = arith.constant 1 : i32
      scf.for %parallel_loop3A_220 = %select_n3A_93 to %parallel_loop3A_195 step %parallel_loop3A_196  : i32 {
        %parallel_loop3A_221 = arith.constant 16 : i32
        %parallel_loop3A_222 = arith.muli %parallel_loop3A_220, %parallel_loop3A_221 : i32
        %parallel_loop3A_223 = arith.index_cast %parallel_loop3A_222 : i32 to index
        %parallel_loop3A_224 = tpu.vector_load %arg9[%parallel_loop3A_223] {strides = array<i32>} : memref<16400xi32, #tpu.memory_space<vmem>>, vector<16xi32>,
        %parallel_loop3A_225 = arith.constant 32767 : i32
        %parallel_loop3A_226 = vector.broadcast %parallel_loop3A_225 : i32 to vector<16xi32>
        %parallel_loop3A_227 = arith.andi %parallel_loop3A_224, %parallel_loop3A_226 : vector<16xi32>
        %parallel_loop3A_228 = arith.constant 32768 : i32
        %parallel_loop3A_229 = vector.broadcast %parallel_loop3A_228 : i32 to vector<16xi32>
        %parallel_loop3A_230 = arith.andi %parallel_loop3A_224, %parallel_loop3A_229 : vector<16xi32>
        %parallel_loop3A_231 = tpu.vector_load_idx %arg7[%parallel_loop3A_227] : memref<32768xf32, #tpu.memory_space<vmem>>[vector<16xi32>], vector<16xf32>,
        %parallel_loop3A_232 = arith.cmpf one, %parallel_loop3A_231, %parallel_loop3A_231 : vector<16xf32>
        %parallel_loop3A_233 = arith.constant 0.000000e+00 : f32
        %parallel_loop3A_234 = vector.broadcast %parallel_loop3A_233 : f32 to vector<16xf32>
        %parallel_loop3A_235 = arith.select %parallel_loop3A_232, %parallel_loop3A_234, %parallel_loop3A_231 : vector<16xi1>, vector<16xf32>
        %parallel_loop3A_236 = arith.constant 18 : i32
        %parallel_loop3A_237 = vector.broadcast %parallel_loop3A_236 : i32 to vector<16xi32>
        %parallel_loop3A_238 = arith.shrui %parallel_loop3A_224, %parallel_loop3A_237 : vector<16xi32>
        %parallel_loop3A_239 = vector.broadcast %mul3A_194 : i32 to vector<16xi32>
        %parallel_loop3A_240 = arith.addi %parallel_loop3A_238, %parallel_loop3A_239 : vector<16xi32>
        %parallel_loop3A_241 = arith.constant 0 : i32
        %parallel_loop3A_242 = vector.broadcast %parallel_loop3A_241 : i32 to vector<16xi32>
        %parallel_loop3A_243 = arith.cmpi ne, %parallel_loop3A_230, %parallel_loop3A_242 : vector<16xi32>
        tpu.vector_store_idx %arg10[%parallel_loop3A_240], %parallel_loop3A_235 masked %parallel_loop3A_243 : memref<32768xf32, #tpu.memory_space<vmem>>[vector<16xi32>], vector<16xf32>, vector<16xi1>
      } {sc.loop_unroll_factor = 16 : i64, sc.parallel_access}
      %add3A_197 = arith.constant 1 : i32
      %add3A_198 = arith.addi %while3A_144, %add3A_197 : i32
      %lt3A_199 = arith.cmpi slt, %add3A_198, %sub3A_32 : i32
      %convert_element_type3A_200 = arith.extui %lt3A_199 : i1 to i32
      %cond3A_201 = arith.constant 0 : i32
      %cond3A_202 = arith.cmpi ne, %convert_element_type3A_200, %cond3A_201 : i32
      scf.if %cond3A_202 {
        %mul3A_220 = arith.constant 34 : i32
        %mul3A_221 = arith.muli %select_n3A_30, %mul3A_220 : i32
        %add3A_222 = arith.addi %mul3A_221, %while3A_144 : i32
        %add3A_223 = arith.constant 1 : i32
        %add3A_224 = arith.addi %add3A_222, %add3A_223 : i32
        %lt3A_225 = arith.constant 3 : i32
        %lt3A_226 = arith.cmpi slt, %add3A_224, %lt3A_225 : i32
        %convert_element_type3A_227 = arith.extui %lt3A_226 : i1 to i32
        %cond3A_228 = arith.constant 0 : i32
        %cond3A_229 = arith.cmpi ne, %convert_element_type3A_227, %cond3A_228 : i32
        scf.if %cond3A_229 {
          %mul3A_235 = arith.constant 16 : i32
          %mul3A_236 = arith.muli %add3A_224, %mul3A_235 : i32
          %add3A_237 = arith.addi %mul3A_236, %select_n3A : i32
          %dma_start3A_238 = arith.constant 32768 : i32
          %dma_start3A_239 = tpu.memref_slice %arg2[%add3A_237, %dma_start3A_238] : memref<48x65536xf32, #tpu.memory_space<hbm>> -> memref<1x32768xf32, #tpu.memory_space<hbm>>
          %dma_start3A_240 = tpu.memref_squeeze %dma_start3A_239 : memref<1x32768xf32, #tpu.memory_space<hbm>> -> memref<32768xf32, #tpu.memory_space<hbm>>
          %dma_start3A_241 = arith.constant 32768 : i32
          %dma_start3A_242 = tpu.memref_slice %arg2[%add3A_237, %dma_start3A_241] : memref<48x65536xf32, #tpu.memory_space<hbm>> -> memref<1x32768xf32, #tpu.memory_space<hbm>>
          %dma_start3A_243 = tpu.memref_squeeze %dma_start3A_242 : memref<1x32768xf32, #tpu.memory_space<hbm>> -> memref<32768xf32, #tpu.memory_space<hbm>>
          tpu.enqueue_dma source(%dma_start3A_243 : memref<32768xf32, #tpu.memory_space<hbm>>) target(%arg7 : memref<32768xf32, #tpu.memory_space<vmem>>) target_semaphore(%arg12 : memref<!tpu.dma_semaphore, #tpu.memory_space<semaphore_mem>>)
        } else {
        }
        %ge3A_230 = arith.constant 3 : i32
        %ge3A_231 = arith.cmpi sge, %add3A_224, %ge3A_230 : i32
        %convert_element_type3A_232 = arith.extui %ge3A_231 : i1 to i32
        %cond3A_233 = arith.constant 0 : i32
        %cond3A_234 = arith.cmpi ne, %convert_element_type3A_232, %cond3A_233 : i32
        scf.if %cond3A_234 {
          %mul3A_235 = arith.constant 64 : i32
          %mul3A_236 = arith.muli %select_n3A, %mul3A_235 : i32
          %sub3A_237 = arith.constant 3 : i32
          %sub3A_238 = arith.subi %add3A_224, %sub3A_237 : i32
          %add3A_239 = arith.addi %mul3A_236, %sub3A_238 : i32
          %dma_start3A_240 = arith.constant 32768 : i32
          %dma_start3A_241 = tpu.memref_slice %arg3[%add3A_239, %dma_start3A_240] : memref<1024x65536xf32, #tpu.memory_space<hbm>> -> memref<1x32768xf32, #tpu.memory_space<hbm>>
          %dma_start3A_242 = tpu.memref_squeeze %dma_start3A_241 : memref<1x32768xf32, #tpu.memory_space<hbm>> -> memref<32768xf32, #tpu.memory_space<hbm>>
          %dma_start3A_243 = arith.constant 32768 : i32
          %dma_start3A_244 = tpu.memref_slice %arg3[%add3A_239, %dma_start3A_243] : memref<1024x65536xf32, #tpu.memory_space<hbm>> -> memref<1x32768xf32, #tpu.memory_space<hbm>>
          %dma_start3A_245 = tpu.memref_squeeze %dma_start3A_244 : memref<1x32768xf32, #tpu.memory_space<hbm>> -> memref<32768xf32, #tpu.memory_space<hbm>>
          tpu.enqueue_dma source(%dma_start3A_245 : memref<32768xf32, #tpu.memory_space<hbm>>) target(%arg7 : memref<32768xf32, #tpu.memory_space<vmem>>) target_semaphore(%arg12 : memref<!tpu.dma_semaphore, #tpu.memory_space<semaphore_mem>>)
        } else {
        }
      } else {
      }
      %mul3A_203 = arith.constant 16384 : i32
      %mul3A_204 = arith.muli %select_n3A_163, %mul3A_203 : i32
      %dma_start3A = tpu.memref_slice %arg10[%mul3A_204] : memref<32768xf32, #tpu.memory_space<vmem>> -> memref<16384xf32, #tpu.memory_space<vmem>>
      %dma_start3A_205 = arith.constant 0 : i32
      %dma_start3A_206 = arith.constant 0 : i32
      %dma_start3A_207 = tpu.memref_slice %arg5[%add3A_147, %dma_start3A_205, %dma_start3A_206] : memref<67x16x16384xf32, #tpu.memory_space<hbm>> -> memref<1x16x16384xf32, #tpu.memory_space<hbm>>
      %dma_start3A_208 = tpu.memref_squeeze %dma_start3A_207 : memref<1x16x16384xf32, #tpu.memory_space<hbm>> -> memref<16x16384xf32, #tpu.memory_space<hbm>>
      %dma_start3A_209 = arith.constant 0 : i32
      %dma_start3A_210 = tpu.memref_slice %dma_start3A_208[%select_n3A, %dma_start3A_209] : memref<16x16384xf32, #tpu.memory_space<hbm>> -> memref<1x16384xf32, #tpu.memory_space<hbm>>
      %dma_start3A_211 = tpu.memref_squeeze %dma_start3A_210 : memref<1x16384xf32, #tpu.memory_space<hbm>> -> memref<16384xf32, #tpu.memory_space<hbm>>
      %dma_start3A_212 = arith.constant 0 : i32
      %dma_start3A_213 = arith.constant 0 : i32
      %dma_start3A_214 = tpu.memref_slice %arg5[%add3A_147, %dma_start3A_212, %dma_start3A_213] : memref<67x16x16384xf32, #tpu.memory_space<hbm>> -> memref<1x16x16384xf32, #tpu.memory_space<hbm>>
      %dma_start3A_215 = tpu.memref_squeeze %dma_start3A_214 : memref<1x16x16384xf32, #tpu.memory_space<hbm>> -> memref<16x16384xf32, #tpu.memory_space<hbm>>
      %dma_start3A_216 = arith.constant 0 : i32
      %dma_start3A_217 = tpu.memref_slice %dma_start3A_215[%select_n3A, %dma_start3A_216] : memref<16x16384xf32, #tpu.memory_space<hbm>> -> memref<1x16384xf32, #tpu.memory_space<hbm>>
      %dma_start3A_218 = tpu.memref_squeeze %dma_start3A_217 : memref<1x16384xf32, #tpu.memory_space<hbm>> -> memref<16384xf32, #tpu.memory_space<hbm>>
      %dma_start3A_219 = tpu.memref_slice %arg10[%mul3A_204] : memref<32768xf32, #tpu.memory_space<vmem>> -> memref<16384xf32, #tpu.memory_space<vmem>>
      tpu.enqueue_dma source(%dma_start3A_219 : memref<16384xf32, #tpu.memory_space<vmem>>) target(%dma_start3A_218 : memref<16384xf32, #tpu.memory_space<hbm>>) target_semaphore(%arg13 : memref<!tpu.dma_semaphore, #tpu.memory_space<semaphore_mem>>)
    }
    %while3A_120 = arith.constant 1 : i32
    scf.for %while3A_144 = %while3A_118 to %while3A_114 step %while3A_120  : i32 {
      %mul3A_145 = arith.constant 34 : i32
      %mul3A_146 = arith.muli %select_n3A_30, %mul3A_145 : i32
      %add3A_147 = arith.addi %mul3A_146, %while3A_144 : i32
      %jit3A_148 = arith.constant 2 : i32
      %eq3A_149 = arith.constant 0 : i32
      %eq3A_150 = arith.cmpi eq, %jit3A_148, %eq3A_149 : i32
      %jit3A_151 = arith.constant 1 : i32
      %select_n3A_152 = arith.select %eq3A_150, %jit3A_151, %jit3A_148 : i32
      %rem3A_153 = arith.remsi %while3A_144, %select_n3A_152 : i32
      %ne3A_154 = arith.constant 0 : i32
      %ne3A_155 = arith.cmpi ne, %rem3A_153, %ne3A_154 : i32
      %lt3A_156 = arith.constant 0 : i32
      %lt3A_157 = arith.cmpi slt, %rem3A_153, %lt3A_156 : i32
      %lt3A_158 = arith.constant 0 : i32
      %lt3A_159 = arith.cmpi slt, %select_n3A_152, %lt3A_158 : i32
      %ne3A_160 = arith.xori %lt3A_157, %lt3A_159 : i1
      %and3A_161 = arith.andi %ne3A_160, %ne3A_155 : i1
      %add3A_162 = arith.addi %rem3A_153, %select_n3A_152 : i32
      %select_n3A_163 = arith.select %and3A_161, %add3A_162, %rem3A_153 : i32
      %ge3A_164 = arith.constant 2 : i32
      %ge3A_165 = arith.cmpi sge, %while3A_144, %ge3A_164 : i32
      %convert_element_type3A_166 = arith.extui %ge3A_165 : i1 to i32
      %cond3A_167 = arith.constant 0 : i32
      %cond3A_168 = arith.cmpi ne, %convert_element_type3A_166, %cond3A_167 : i32
      scf.if %cond3A_168 {
        %dma_wait3A_220 = arith.constant 0 : i32
        %dma_wait3A_221 = arith.constant 0 : i32
        %dma_wait3A_222 = arith.constant 0 : i32
        %dma_wait3A_223 = tpu.memref_slice %arg10[%dma_wait3A_222] : memref<32768xf32, #tpu.memory_space<vmem>> -> memref<16384xf32, #tpu.memory_space<vmem>>
        %dma_wait3A_224 = arith.constant 0 : i32
        %dma_wait3A_225 = tpu.memref_slice %arg5[%dma_wait3A_220, %dma_wait3A_221, %dma_wait3A_224] : memref<67x16x16384xf32, #tpu.memory_space<hbm>> -> memref<1x1x16384xf32, #tpu.memory_space<hbm>>
        %dma_wait3A_226 = tpu.memref_squeeze %dma_wait3A_225 : memref<1x1x16384xf32, #tpu.memory_space<hbm>> -> memref<16384xf32, #tpu.memory_space<hbm>>
        %dma_wait3A_227 = arith.constant 0 : i32
        %dma_wait3A_228 = tpu.memref_slice %arg10[%dma_wait3A_227] : memref<32768xf32, #tpu.memory_space<vmem>> -> memref<16384xf32, #tpu.memory_space<vmem>>
        %dma_wait3A_229 = arith.constant 0 : i32
        %dma_wait3A_230 = tpu.memref_slice %arg5[%dma_wait3A_220, %dma_wait3A_221, %dma_wait3A_229] : memref<67x16x16384xf32, #tpu.memory_space<hbm>> -> memref<1x1x16384xf32, #tpu.memory_space<hbm>>
        %dma_wait3A_231 = tpu.memref_squeeze %dma_wait3A_230 : memref<1x1x16384xf32, #tpu.memory_space<hbm>> -> memref<16384xf32, #tpu.memory_space<hbm>>
        tpu.wait_dma2 semaphore(%arg13 : memref<!tpu.dma_semaphore, #tpu.memory_space<semaphore_mem>>) src(%dma_wait3A_231 : memref<16384xf32, #tpu.memory_space<hbm>>) dst(%dma_wait3A_228 : memref<16384xf32, #tpu.memory_space<vmem>>)
      } else {
      }
      %dma_wait3A_169 = arith.constant 0 : i32
      %dma_wait3A_170 = arith.constant 0 : i32
      %dma_wait3A_171 = tpu.memref_slice %arg3[%dma_wait3A_169, %dma_wait3A_170] : memref<1024x65536xf32, #tpu.memory_space<hbm>> -> memref<1x32768xf32, #tpu.memory_space<hbm>>
      %dma_wait3A_172 = tpu.memref_squeeze %dma_wait3A_171 : memref<1x32768xf32, #tpu.memory_space<hbm>> -> memref<32768xf32, #tpu.memory_space<hbm>>
      %dma_wait3A_173 = arith.constant 0 : i32
      %dma_wait3A_174 = tpu.memref_slice %arg3[%dma_wait3A_169, %dma_wait3A_173] : memref<1024x65536xf32, #tpu.memory_space<hbm>> -> memref<1x32768xf32, #tpu.memory_space<hbm>>
      %dma_wait3A_175 = tpu.memref_squeeze %dma_wait3A_174 : memref<1x32768xf32, #tpu.memory_space<hbm>> -> memref<32768xf32, #tpu.memory_space<hbm>>
      tpu.wait_dma2 semaphore(%arg11 : memref<!tpu.dma_semaphore, #tpu.memory_space<semaphore_mem>>) src(%dma_wait3A_175 : memref<32768xf32, #tpu.memory_space<hbm>>) dst(%arg6 : memref<32768xf32, #tpu.memory_space<vmem>>)
      %mul3A_176 = arith.constant 16384 : i32
      %mul3A_177 = arith.muli %select_n3A_163, %mul3A_176 : i32
      %parallel_loop3A_178 = arith.constant 0 : i32
      %parallel_loop3A_179 = arith.constant 1 : i32
      scf.for %parallel_loop3A_220 = %parallel_loop3A_178 to %select_n3A_69 step %parallel_loop3A_179  : i32 {
        %parallel_loop3A_221 = arith.constant 16 : i32
        %parallel_loop3A_222 = arith.muli %parallel_loop3A_220, %parallel_loop3A_221 : i32
        %parallel_loop3A_223 = arith.index_cast %parallel_loop3A_222 : i32 to index
        %parallel_loop3A_224 = tpu.vector_load %arg9[%parallel_loop3A_223] {strides = array<i32>} : memref<16400xi32, #tpu.memory_space<vmem>>, vector<16xi32>,
        %parallel_loop3A_225 = arith.constant 32767 : i32
        %parallel_loop3A_226 = vector.broadcast %parallel_loop3A_225 : i32 to vector<16xi32>
        %parallel_loop3A_227 = arith.andi %parallel_loop3A_224, %parallel_loop3A_226 : vector<16xi32>
        %parallel_loop3A_228 = arith.constant 32768 : i32
        %parallel_loop3A_229 = vector.broadcast %parallel_loop3A_228 : i32 to vector<16xi32>
        %parallel_loop3A_230 = arith.andi %parallel_loop3A_224, %parallel_loop3A_229 : vector<16xi32>
        %parallel_loop3A_231 = tpu.vector_load_idx %arg6[%parallel_loop3A_227] : memref<32768xf32, #tpu.memory_space<vmem>>[vector<16xi32>], vector<16xf32>,
        %parallel_loop3A_232 = arith.cmpf one, %parallel_loop3A_231, %parallel_loop3A_231 : vector<16xf32>
        %parallel_loop3A_233 = arith.constant 0.000000e+00 : f32
        %parallel_loop3A_234 = vector.broadcast %parallel_loop3A_233 : f32 to vector<16xf32>
        %parallel_loop3A_235 = arith.select %parallel_loop3A_232, %parallel_loop3A_234, %parallel_loop3A_231 : vector<16xi1>, vector<16xf32>
        %parallel_loop3A_236 = arith.constant 18 : i32
        %parallel_loop3A_237 = vector.broadcast %parallel_loop3A_236 : i32 to vector<16xi32>
        %parallel_loop3A_238 = arith.shrui %parallel_loop3A_224, %parallel_loop3A_237 : vector<16xi32>
        %parallel_loop3A_239 = vector.broadcast %mul3A_177 : i32 to vector<16xi32>
        %parallel_loop3A_240 = arith.addi %parallel_loop3A_238, %parallel_loop3A_239 : vector<16xi32>
        %parallel_loop3A_241 = arith.constant 0 : i32
        %parallel_loop3A_242 = vector.broadcast %parallel_loop3A_241 : i32 to vector<16xi32>
        %parallel_loop3A_243 = arith.cmpi eq, %parallel_loop3A_230, %parallel_loop3A_242 : vector<16xi32>
        tpu.vector_store_idx %arg10[%parallel_loop3A_240], %parallel_loop3A_235 masked %parallel_loop3A_243 : memref<32768xf32, #tpu.memory_space<vmem>>[vector<16xi32>], vector<16xf32>, vector<16xi1>
      } {sc.loop_unroll_factor = 16 : i64, sc.parallel_access}
      %add3A_180 = arith.constant 1 : i32
      %add3A_181 = arith.addi %while3A_144, %add3A_180 : i32
      %lt3A_182 = arith.cmpi slt, %add3A_181, %sub3A_32 : i32
      %convert_element_type3A_183 = arith.extui %lt3A_182 : i1 to i32
      %cond3A_184 = arith.constant 0 : i32
      %cond3A_185 = arith.cmpi ne, %convert_element_type3A_183, %cond3A_184 : i32
      scf.if %cond3A_185 {
        %mul3A_220 = arith.constant 34 : i32
        %mul3A_221 = arith.muli %select_n3A_30, %mul3A_220 : i32
        %add3A_222 = arith.addi %mul3A_221, %while3A_144 : i32
        %add3A_223 = arith.constant 1 : i32
        %add3A_224 = arith.addi %add3A_222, %add3A_223 : i32
        %lt3A_225 = arith.constant 3 : i32
        %lt3A_226 = arith.cmpi slt, %add3A_224, %lt3A_225 : i32
        %convert_element_type3A_227 = arith.extui %lt3A_226 : i1 to i32
        %cond3A_228 = arith.constant 0 : i32
        %cond3A_229 = arith.cmpi ne, %convert_element_type3A_227, %cond3A_228 : i32
        scf.if %cond3A_229 {
          %mul3A_235 = arith.constant 16 : i32
          %mul3A_236 = arith.muli %add3A_224, %mul3A_235 : i32
          %add3A_237 = arith.addi %mul3A_236, %select_n3A : i32
          %dma_start3A_238 = arith.constant 0 : i32
          %dma_start3A_239 = tpu.memref_slice %arg2[%add3A_237, %dma_start3A_238] : memref<48x65536xf32, #tpu.memory_space<hbm>> -> memref<1x32768xf32, #tpu.memory_space<hbm>>
          %dma_start3A_240 = tpu.memref_squeeze %dma_start3A_239 : memref<1x32768xf32, #tpu.memory_space<hbm>> -> memref<32768xf32, #tpu.memory_space<hbm>>
          %dma_start3A_241 = arith.constant 0 : i32
          %dma_start3A_242 = tpu.memref_slice %arg2[%add3A_237, %dma_start3A_241] : memref<48x65536xf32, #tpu.memory_space<hbm>> -> memref<1x32768xf32, #tpu.memory_space<hbm>>
          %dma_start3A_243 = tpu.memref_squeeze %dma_start3A_242 : memref<1x32768xf32, #tpu.memory_space<hbm>> -> memref<32768xf32, #tpu.memory_space<hbm>>
          tpu.enqueue_dma source(%dma_start3A_243 : memref<32768xf32, #tpu.memory_space<hbm>>) target(%arg6 : memref<32768xf32, #tpu.memory_space<vmem>>) target_semaphore(%arg11 : memref<!tpu.dma_semaphore, #tpu.memory_space<semaphore_mem>>)
        } else {
        }
        %ge3A_230 = arith.constant 3 : i32
        %ge3A_231 = arith.cmpi sge, %add3A_224, %ge3A_230 : i32
        %convert_element_type3A_232 = arith.extui %ge3A_231 : i1 to i32
        %cond3A_233 = arith.constant 0 : i32
        %cond3A_234 = arith.cmpi ne, %convert_element_type3A_232, %cond3A_233 : i32
        scf.if %cond3A_234 {
          %mul3A_235 = arith.constant 64 : i32
          %mul3A_236 = arith.muli %select_n3A, %mul3A_235 : i32
          %sub3A_237 = arith.constant 3 : i32
          %sub3A_238 = arith.subi %add3A_224, %sub3A_237 : i32
          %add3A_239 = arith.addi %mul3A_236, %sub3A_238 : i32
          %dma_start3A_240 = arith.constant 0 : i32
          %dma_start3A_241 = tpu.memref_slice %arg3[%add3A_239, %dma_start3A_240] : memref<1024x65536xf32, #tpu.memory_space<hbm>> -> memref<1x32768xf32, #tpu.memory_space<hbm>>
          %dma_start3A_242 = tpu.memref_squeeze %dma_start3A_241 : memref<1x32768xf32, #tpu.memory_space<hbm>> -> memref<32768xf32, #tpu.memory_space<hbm>>
          %dma_start3A_243 = arith.constant 0 : i32
          %dma_start3A_244 = tpu.memref_slice %arg3[%add3A_239, %dma_start3A_243] : memref<1024x65536xf32, #tpu.memory_space<hbm>> -> memref<1x32768xf32, #tpu.memory_space<hbm>>
          %dma_start3A_245 = tpu.memref_squeeze %dma_start3A_244 : memref<1x32768xf32, #tpu.memory_space<hbm>> -> memref<32768xf32, #tpu.memory_space<hbm>>
          tpu.enqueue_dma source(%dma_start3A_245 : memref<32768xf32, #tpu.memory_space<hbm>>) target(%arg6 : memref<32768xf32, #tpu.memory_space<vmem>>) target_semaphore(%arg11 : memref<!tpu.dma_semaphore, #tpu.memory_space<semaphore_mem>>)
        } else {
        }
      } else {
      }
      %dma_wait3A_186 = arith.constant 0 : i32
      %dma_wait3A_187 = arith.constant 0 : i32
      %dma_wait3A_188 = tpu.memref_slice %arg3[%dma_wait3A_186, %dma_wait3A_187] : memref<1024x65536xf32, #tpu.memory_space<hbm>> -> memref<1x32768xf32, #tpu.memory_space<hbm>>
      %dma_wait3A_189 = tpu.memref_squeeze %dma_wait3A_188 : memref<1x32768xf32, #tpu.memory_space<hbm>> -> memref<32768xf32, #tpu.memory_space<hbm>>
      %dma_wait3A_190 = arith.constant 0 : i32
      %dma_wait3A_191 = tpu.memref_slice %arg3[%dma_wait3A_186, %dma_wait3A_190] : memref<1024x65536xf32, #tpu.memory_space<hbm>> -> memref<1x32768xf32, #tpu.memory_space<hbm>>
      %dma_wait3A_192 = tpu.memref_squeeze %dma_wait3A_191 : memref<1x32768xf32, #tpu.memory_space<hbm>> -> memref<32768xf32, #tpu.memory_space<hbm>>
      tpu.wait_dma2 semaphore(%arg12 : memref<!tpu.dma_semaphore, #tpu.memory_space<semaphore_mem>>) src(%dma_wait3A_192 : memref<32768xf32, #tpu.memory_space<hbm>>) dst(%arg7 : memref<32768xf32, #tpu.memory_space<vmem>>)
      %mul3A_193 = arith.constant 16384 : i32
      %mul3A_194 = arith.muli %select_n3A_163, %mul3A_193 : i32
      %parallel_loop3A_195 = arith.constant 1024 : i32
      %parallel_loop3A_196 = arith.constant 1 : i32
      scf.for %parallel_loop3A_220 = %select_n3A_93 to %parallel_loop3A_195 step %parallel_loop3A_196  : i32 {
        %parallel_loop3A_221 = arith.constant 16 : i32
        %parallel_loop3A_222 = arith.muli %parallel_loop3A_220, %parallel_loop3A_221 : i32
        %parallel_loop3A_223 = arith.index_cast %parallel_loop3A_222 : i32 to index
        %parallel_loop3A_224 = tpu.vector_load %arg9[%parallel_loop3A_223] {strides = array<i32>} : memref<16400xi32, #tpu.memory_space<vmem>>, vector<16xi32>,
        %parallel_loop3A_225 = arith.constant 32767 : i32
        %parallel_loop3A_226 = vector.broadcast %parallel_loop3A_225 : i32 to vector<16xi32>
        %parallel_loop3A_227 = arith.andi %parallel_loop3A_224, %parallel_loop3A_226 : vector<16xi32>
        %parallel_loop3A_228 = arith.constant 32768 : i32
        %parallel_loop3A_229 = vector.broadcast %parallel_loop3A_228 : i32 to vector<16xi32>
        %parallel_loop3A_230 = arith.andi %parallel_loop3A_224, %parallel_loop3A_229 : vector<16xi32>
        %parallel_loop3A_231 = tpu.vector_load_idx %arg7[%parallel_loop3A_227] : memref<32768xf32, #tpu.memory_space<vmem>>[vector<16xi32>], vector<16xf32>,
        %parallel_loop3A_232 = arith.cmpf one, %parallel_loop3A_231, %parallel_loop3A_231 : vector<16xf32>
        %parallel_loop3A_233 = arith.constant 0.000000e+00 : f32
        %parallel_loop3A_234 = vector.broadcast %parallel_loop3A_233 : f32 to vector<16xf32>
        %parallel_loop3A_235 = arith.select %parallel_loop3A_232, %parallel_loop3A_234, %parallel_loop3A_231 : vector<16xi1>, vector<16xf32>
        %parallel_loop3A_236 = arith.constant 18 : i32
        %parallel_loop3A_237 = vector.broadcast %parallel_loop3A_236 : i32 to vector<16xi32>
        %parallel_loop3A_238 = arith.shrui %parallel_loop3A_224, %parallel_loop3A_237 : vector<16xi32>
        %parallel_loop3A_239 = vector.broadcast %mul3A_194 : i32 to vector<16xi32>
        %parallel_loop3A_240 = arith.addi %parallel_loop3A_238, %parallel_loop3A_239 : vector<16xi32>
        %parallel_loop3A_241 = arith.constant 0 : i32
        %parallel_loop3A_242 = vector.broadcast %parallel_loop3A_241 : i32 to vector<16xi32>
        %parallel_loop3A_243 = arith.cmpi ne, %parallel_loop3A_230, %parallel_loop3A_242 : vector<16xi32>
        tpu.vector_store_idx %arg10[%parallel_loop3A_240], %parallel_loop3A_235 masked %parallel_loop3A_243 : memref<32768xf32, #tpu.memory_space<vmem>>[vector<16xi32>], vector<16xf32>, vector<16xi1>
      } {sc.loop_unroll_factor = 16 : i64, sc.parallel_access}
      %add3A_197 = arith.constant 1 : i32
      %add3A_198 = arith.addi %while3A_144, %add3A_197 : i32
      %lt3A_199 = arith.cmpi slt, %add3A_198, %sub3A_32 : i32
      %convert_element_type3A_200 = arith.extui %lt3A_199 : i1 to i32
      %cond3A_201 = arith.constant 0 : i32
      %cond3A_202 = arith.cmpi ne, %convert_element_type3A_200, %cond3A_201 : i32
      scf.if %cond3A_202 {
        %mul3A_220 = arith.constant 34 : i32
        %mul3A_221 = arith.muli %select_n3A_30, %mul3A_220 : i32
        %add3A_222 = arith.addi %mul3A_221, %while3A_144 : i32
        %add3A_223 = arith.constant 1 : i32
        %add3A_224 = arith.addi %add3A_222, %add3A_223 : i32
        %lt3A_225 = arith.constant 3 : i32
        %lt3A_226 = arith.cmpi slt, %add3A_224, %lt3A_225 : i32
        %convert_element_type3A_227 = arith.extui %lt3A_226 : i1 to i32
        %cond3A_228 = arith.constant 0 : i32
        %cond3A_229 = arith.cmpi ne, %convert_element_type3A_227, %cond3A_228 : i32
        scf.if %cond3A_229 {
          %mul3A_235 = arith.constant 16 : i32
          %mul3A_236 = arith.muli %add3A_224, %mul3A_235 : i32
          %add3A_237 = arith.addi %mul3A_236, %select_n3A : i32
          %dma_start3A_238 = arith.constant 32768 : i32
          %dma_start3A_239 = tpu.memref_slice %arg2[%add3A_237, %dma_start3A_238] : memref<48x65536xf32, #tpu.memory_space<hbm>> -> memref<1x32768xf32, #tpu.memory_space<hbm>>
          %dma_start3A_240 = tpu.memref_squeeze %dma_start3A_239 : memref<1x32768xf32, #tpu.memory_space<hbm>> -> memref<32768xf32, #tpu.memory_space<hbm>>
          %dma_start3A_241 = arith.constant 32768 : i32
          %dma_start3A_242 = tpu.memref_slice %arg2[%add3A_237, %dma_start3A_241] : memref<48x65536xf32, #tpu.memory_space<hbm>> -> memref<1x32768xf32, #tpu.memory_space<hbm>>
          %dma_start3A_243 = tpu.memref_squeeze %dma_start3A_242 : memref<1x32768xf32, #tpu.memory_space<hbm>> -> memref<32768xf32, #tpu.memory_space<hbm>>
          tpu.enqueue_dma source(%dma_start3A_243 : memref<32768xf32, #tpu.memory_space<hbm>>) target(%arg7 : memref<32768xf32, #tpu.memory_space<vmem>>) target_semaphore(%arg12 : memref<!tpu.dma_semaphore, #tpu.memory_space<semaphore_mem>>)
        } else {
        }
        %ge3A_230 = arith.constant 3 : i32
        %ge3A_231 = arith.cmpi sge, %add3A_224, %ge3A_230 : i32
        %convert_element_type3A_232 = arith.extui %ge3A_231 : i1 to i32
        %cond3A_233 = arith.constant 0 : i32
        %cond3A_234 = arith.cmpi ne, %convert_element_type3A_232, %cond3A_233 : i32
        scf.if %cond3A_234 {
          %mul3A_235 = arith.constant 64 : i32
          %mul3A_236 = arith.muli %select_n3A, %mul3A_235 : i32
          %sub3A_237 = arith.constant 3 : i32
          %sub3A_238 = arith.subi %add3A_224, %sub3A_237 : i32
          %add3A_239 = arith.addi %mul3A_236, %sub3A_238 : i32
          %dma_start3A_240 = arith.constant 32768 : i32
          %dma_start3A_241 = tpu.memref_slice %arg3[%add3A_239, %dma_start3A_240] : memref<1024x65536xf32, #tpu.memory_space<hbm>> -> memref<1x32768xf32, #tpu.memory_space<hbm>>
          %dma_start3A_242 = tpu.memref_squeeze %dma_start3A_241 : memref<1x32768xf32, #tpu.memory_space<hbm>> -> memref<32768xf32, #tpu.memory_space<hbm>>
          %dma_start3A_243 = arith.constant 32768 : i32
          %dma_start3A_244 = tpu.memref_slice %arg3[%add3A_239, %dma_start3A_243] : memref<1024x65536xf32, #tpu.memory_space<hbm>> -> memref<1x32768xf32, #tpu.memory_space<hbm>>
          %dma_start3A_245 = tpu.memref_squeeze %dma_start3A_244 : memref<1x32768xf32, #tpu.memory_space<hbm>> -> memref<32768xf32, #tpu.memory_space<hbm>>
          tpu.enqueue_dma source(%dma_start3A_245 : memref<32768xf32, #tpu.memory_space<hbm>>) target(%arg7 : memref<32768xf32, #tpu.memory_space<vmem>>) target_semaphore(%arg12 : memref<!tpu.dma_semaphore, #tpu.memory_space<semaphore_mem>>)
        } else {
        }
      } else {
      }
      %mul3A_203 = arith.constant 16384 : i32
      %mul3A_204 = arith.muli %select_n3A_163, %mul3A_203 : i32
      %dma_start3A = tpu.memref_slice %arg10[%mul3A_204] : memref<32768xf32, #tpu.memory_space<vmem>> -> memref<16384xf32, #tpu.memory_space<vmem>>
      %dma_start3A_205 = arith.constant 0 : i32
      %dma_start3A_206 = arith.constant 0 : i32
      %dma_start3A_207 = tpu.memref_slice %arg5[%add3A_147, %dma_start3A_205, %dma_start3A_206] : memref<67x16x16384xf32, #tpu.memory_space<hbm>> -> memref<1x16x16384xf32, #tpu.memory_space<hbm>>
      %dma_start3A_208 = tpu.memref_squeeze %dma_start3A_207 : memref<1x16x16384xf32, #tpu.memory_space<hbm>> -> memref<16x16384xf32, #tpu.memory_space<hbm>>
      %dma_start3A_209 = arith.constant 0 : i32
      %dma_start3A_210 = tpu.memref_slice %dma_start3A_208[%select_n3A, %dma_start3A_209] : memref<16x16384xf32, #tpu.memory_space<hbm>> -> memref<1x16384xf32, #tpu.memory_space<hbm>>
      %dma_start3A_211 = tpu.memref_squeeze %dma_start3A_210 : memref<1x16384xf32, #tpu.memory_space<hbm>> -> memref<16384xf32, #tpu.memory_space<hbm>>
      %dma_start3A_212 = arith.constant 0 : i32
      %dma_start3A_213 = arith.constant 0 : i32
      %dma_start3A_214 = tpu.memref_slice %arg5[%add3A_147, %dma_start3A_212, %dma_start3A_213] : memref<67x16x16384xf32, #tpu.memory_space<hbm>> -> memref<1x16x16384xf32, #tpu.memory_space<hbm>>
      %dma_start3A_215 = tpu.memref_squeeze %dma_start3A_214 : memref<1x16x16384xf32, #tpu.memory_space<hbm>> -> memref<16x16384xf32, #tpu.memory_space<hbm>>
      %dma_start3A_216 = arith.constant 0 : i32
      %dma_start3A_217 = tpu.memref_slice %dma_start3A_215[%select_n3A, %dma_start3A_216] : memref<16x16384xf32, #tpu.memory_space<hbm>> -> memref<1x16384xf32, #tpu.memory_space<hbm>>
      %dma_start3A_218 = tpu.memref_squeeze %dma_start3A_217 : memref<1x16384xf32, #tpu.memory_space<hbm>> -> memref<16384xf32, #tpu.memory_space<hbm>>
      %dma_start3A_219 = tpu.memref_slice %arg10[%mul3A_204] : memref<32768xf32, #tpu.memory_space<vmem>> -> memref<16384xf32, #tpu.memory_space<vmem>>
      tpu.enqueue_dma source(%dma_start3A_219 : memref<16384xf32, #tpu.memory_space<vmem>>) target(%dma_start3A_218 : memref<16384xf32, #tpu.memory_space<hbm>>) target_semaphore(%arg13 : memref<!tpu.dma_semaphore, #tpu.memory_space<semaphore_mem>>)
    }
    %dma_wait3A = arith.constant 0 : i32
    %dma_wait3A_121 = arith.constant 0 : i32
    %dma_wait3A_122 = arith.constant 0 : i32
    %dma_wait3A_123 = tpu.memref_slice %arg10[%dma_wait3A_122] : memref<32768xf32, #tpu.memory_space<vmem>> -> memref<16384xf32, #tpu.memory_space<vmem>>
    %dma_wait3A_124 = arith.constant 0 : i32
    %dma_wait3A_125 = tpu.memref_slice %arg5[%dma_wait3A, %dma_wait3A_121, %dma_wait3A_124] : memref<67x16x16384xf32, #tpu.memory_space<hbm>> -> memref<1x1x16384xf32, #tpu.memory_space<hbm>>
    %dma_wait3A_126 = tpu.memref_squeeze %dma_wait3A_125 : memref<1x1x16384xf32, #tpu.memory_space<hbm>> -> memref<16384xf32, #tpu.memory_space<hbm>>
    %dma_wait3A_127 = arith.constant 0 : i32
    %dma_wait3A_128 = tpu.memref_slice %arg10[%dma_wait3A_127] : memref<32768xf32, #tpu.memory_space<vmem>> -> memref<16384xf32, #tpu.memory_space<vmem>>
    %dma_wait3A_129 = arith.constant 0 : i32
    %dma_wait3A_130 = tpu.memref_slice %arg5[%dma_wait3A, %dma_wait3A_121, %dma_wait3A_129] : memref<67x16x16384xf32, #tpu.memory_space<hbm>> -> memref<1x1x16384xf32, #tpu.memory_space<hbm>>
    %dma_wait3A_131 = tpu.memref_squeeze %dma_wait3A_130 : memref<1x1x16384xf32, #tpu.memory_space<hbm>> -> memref<16384xf32, #tpu.memory_space<hbm>>
    tpu.wait_dma2 semaphore(%arg13 : memref<!tpu.dma_semaphore, #tpu.memory_space<semaphore_mem>>) src(%dma_wait3A_131 : memref<16384xf32, #tpu.memory_space<hbm>>) dst(%dma_wait3A_128 : memref<16384xf32, #tpu.memory_space<vmem>>)
    %dma_wait3A_132 = arith.constant 0 : i32
    %dma_wait3A_133 = arith.constant 0 : i32
    %dma_wait3A_134 = arith.constant 0 : i32
    %dma_wait3A_135 = tpu.memref_slice %arg10[%dma_wait3A_134] : memref<32768xf32, #tpu.memory_space<vmem>> -> memref<16384xf32, #tpu.memory_space<vmem>>
    %dma_wait3A_136 = arith.constant 0 : i32
    %dma_wait3A_137 = tpu.memref_slice %arg5[%dma_wait3A_132, %dma_wait3A_133, %dma_wait3A_136] : memref<67x16x16384xf32, #tpu.memory_space<hbm>> -> memref<1x1x16384xf32, #tpu.memory_space<hbm>>
    %dma_wait3A_138 = tpu.memref_squeeze %dma_wait3A_137 : memref<1x1x16384xf32, #tpu.memory_space<hbm>> -> memref<16384xf32, #tpu.memory_space<hbm>>
    %dma_wait3A_139 = arith.constant 0 : i32
    %dma_wait3A_140 = tpu.memref_slice %arg10[%dma_wait3A_139] : memref<32768xf32, #tpu.memory_space<vmem>> -> memref<16384xf32, #tpu.memory_space<vmem>>
    %dma_wait3A_141 = arith.constant 0 : i32
    %dma_wait3A_142 = tpu.memref_slice %arg5[%dma_wait3A_132, %dma_wait3A_133, %dma_wait3A_141] : memref<67x16x16384xf32, #tpu.memory_space<hbm>> -> memref<1x1x16384xf32, #tpu.memory_space<hbm>>
    %dma_wait3A_143 = tpu.memref_squeeze %dma_wait3A_142 : memref<1x1x16384xf32, #tpu.memory_space<hbm>> -> memref<16384xf32, #tpu.memory_space<hbm>>
    tpu.wait_dma2 semaphore(%arg13 : memref<!tpu.dma_semaphore, #tpu.memory_space<semaphore_mem>>) src(%dma_wait3A_143 : memref<16384xf32, #tpu.memory_space<hbm>>) dst(%dma_wait3A_140 : memref<16384xf32, #tpu.memory_space<vmem>>)
    return
  }
}

</mosaic_0001>

<sc_bundles>
// kernel: kernel.3.cloned.1.call-start
scs
__scs_entry_jumppad:
0x0: {  	(pc) =	sbr.rel $0x88, $3  }
0x1: {  	(tag) =	ssettag $0x0;
	lr =	simm.s32 $0x1  }
0x2: {  	[smem:$0x3F9E] =	sst lr;
	_ =	strace $0xD0000000  }
0x3: {  	_ = 	snop  }
0x4: {  	_ = 	snop  }
0x5: {  	_ = 	snop  }
0x6: {  	_ = 	snop  }
0x7: {  	_ = 	snop  }
__scs_overlays_trampoline_lowered:
0x8: {  	[smem:$0x3FAD] =	sst s0  }
0x9: {  	[smem:$0x3FAE] =	sst s1  }
0xa: {  	[smem:$0x3FAF] =	sst s2  }
0xb: {  	[smem:$0x3FB0] =	sst s3  }
0xc: {  	[smem:$0x3FB1] =	sst s4  }
0xd: {  	[smem:$0x3FB2] =	sst s5  }
0xe: {  	[smem:$0x3FB3] =	sst s6  }
0xf: {  	[smem:$0x3FB4] =	sst s7  }
0x10: {  	[smem:$0x3FB5] =	sst s8  }
0x11: {  	[smem:$0x3FB6] =	sst s9;
	s0 =	simm.s32 @!p0 $0x0  }
0x12: {  	s1 =	sld [smem:$0x3F9C];
	s0 =	simm.s32 @p0 $0x1  }
0x13: {  	[smem:$0x3FB7] =	sst s0;
	s0 =	simm.s32 @!p1 $0x0  }
0x14: {  	s2 =	sld [smem:$0x3F9B];
	s0 =	simm.s32 @p1 $0x1  }
0x15: {  	[smem:$0x3FB8] =	sst s0;
	s0 =	simm.s32 @!p2 $0x0  }
0x16: {  	s3 =	sld [smem:$0x3FDB];
	s0 =	simm.s32 @p2 $0x1  }
0x17: {  	s4 =	simm.s32 $0x1BF5;
	[smem:$0x3FBA] =	sst s0  }
0x18: {  	s0 =	sld [smem:$0x3F9D];
	_ =	swait.ge [sflag:s4], $0x0  }
0x19: {  	s7 =	sld [smem:$0x3F9E]  }
0x1a: {  	s8 =	sadd.s32 $0xFFFFE003, lr  }
0x1b: {  	s9 =	sadd.s32 $0xFFFFFEF7, lr;
	s5 =	simm.s32 $0xFFFFFFFF;
	p2 =	slt.u32 s8, $0xFFFFF086  }
0x1c: {  	p1 =	slt.u32 s9, $0xF7A;
	s5 =	simm.s32 @!p2 $0x0  }
0x1d: {  	s5 =	simm.s32 @p1 $0x1;
	p0 =	seq.s32 s7, s2  }
0x1e: {  	s7 =	smul.u32 @!p0 $0xF7A, s2;
	p2 =	seq.s32 @!p0 s5, $0x0  }
0x1f: {  	s9 =	smul.u32 $0xF7A, s1;
	s8 =	simm.s32 @!p0 $0x1BF5;
	p2 =	por !p2, p0  }
0x20: {  	[sflag:s8] =	ssyncset.s32 @!p0 $0xFFFFF086;
	s6 =	sadd.s32 @!p0 s3, s7;
	s7 =	simm.s32 @!p0 $0x108  }
0x21: {  	s3 =	sadd.s32 s3, s9;
	s6 =	sadd.s32 @!p0 $0x88, s6;
	s7 =	simm.s32 @p2 $0x1082  }
0x22: {  	[simem:s7], [sflag:s8] =	dma.local @!p0 [hbm:s6], $0xF7A  }
0x23: {  	s9 =	sor.u32 $0xD0000000, s2;
	s6 =	simm.s32 $0x108;
	_ =	swait.ge @!p0 [sflag:s8], $0x0  }
0x24: {  	s3 =	sadd.s32 $0x88, s3;
	s6 =	simm.s32 @!p1 $0x1082;
	[sflag:s4] =	ssyncset.s32 $0xFFFFF086  }
0x25: {  	[simem:s6], [sflag:s4] =	dma.local [hbm:s3], $0xF7A  }
0x26: {  	[smem:$0x3F9E] =	sst s1;
	(tag) =	ssettag s2;
	_ =	strace s9  }
0x27: {  	s1 =	sld [smem:$0x3FAE]  }
0x28: {  	s2 =	sld [smem:$0x3FAF]  }
0x29: {  	s4 =	sld [smem:$0x3FB1]  }
0x2a: {  	p0 =	seq.s32 s5, $0x0;
	s5 =	sld [smem:$0x3FB2]  }
0x2b: {  	s6 =	sld [smem:$0x3FB3]  }
0x2c: {  	s7 =	sld [smem:$0x3FB4]  }
0x2d: {  	s3 =	simm.s32 $0x108;
	s8 =	sld [smem:$0x3FB5]  }
0x2e: {  	s3 =	simm.s32 @!p0 $0x1082;
	s9 =	sld [smem:$0x3FB6]  }
0x2f: {  	lr =	sadd.s32 s0, s3;
	s0 =	sld [smem:$0x3FAD]  }
0x30: {  	s3 =	sld [smem:$0x3FB0]  }
0x31: {  	[smem:$0x3FB9] =	sst s10  }
0x32: {  	s10 =	sld [smem:$0x3FB7];
	_ =	sdelay $0x3  }
0x33: {  	p0 =	seq.s32 s10, $0x1;
	s10 =	sld [smem:$0x3FB9];
	_ =	sdelay $0x3  }
0x34: {  	[smem:$0x3FB9] =	sst s10  }
0x35: {  	s10 =	sld [smem:$0x3FB8];
	_ =	sdelay $0x3  }
0x36: {  	p1 =	seq.s32 s10, $0x1;
	s10 =	sld [smem:$0x3FB9];
	_ =	sdelay $0x3  }
0x37: {  	[smem:$0x3FB9] =	sst s10  }
0x38: {  	s10 =	sld [smem:$0x3FBA]  }
0x39: {  	_ = 	snop;
	(pc) =	sbr.ind lr, $3  }
0x3a: {  	_ = 	snop  }
0x3b: {  	_ = 	snop  }
0x3c: {  	p2 =	seq.s32 s10, $0x1;
	s10 =	sld [smem:$0x3FB9]  }
0x3d: {  	_ =	shalt  }
0x3e: {  	_ =	shalt  }
0x3f: {  	_ =	shalt  }
0x40: {  	_ =	shalt  }
0x41: {  	_ =	shalt  }
0x42: {  	_ =	shalt  }
0x43: {  	_ =	shalt  }
0x44: {  	_ =	shalt  }
0x45: {  	_ =	shalt  }
0x46: {  	_ =	shalt  }
0x47: {  	_ =	shalt  }
0x48: {  	_ =	shalt  }
0x49: {  	_ =	shalt  }
0x4a: {  	_ =	shalt  }
0x4b: {  	_ =	shalt  }
0x4c: {  	_ =	shalt  }
0x4d: {  	_ =	shalt  }
0x4e: {  	_ =	shalt  }
0x4f: {  	_ =	shalt  }
0x50: {  	_ =	shalt  }
0x51: {  	_ =	shalt  }
0x52: {  	_ =	shalt  }
0x53: {  	_ =	shalt  }
0x54: {  	_ =	shalt  }
0x55: {  	_ =	shalt  }
0x56: {  	_ =	shalt  }
0x57: {  	_ =	shalt  }
0x58: {  	_ =	shalt  }
0x59: {  	_ =	shalt  }
0x5a: {  	_ =	shalt  }
0x5b: {  	_ =	shalt  }
0x5c: {  	_ =	shalt  }
0x5d: {  	_ =	shalt  }
0x5e: {  	_ =	shalt  }
0x5f: {  	_ =	shalt  }
0x60: {  	_ =	shalt  }
0x61: {  	_ =	shalt  }
0x62: {  	_ =	shalt  }
0x63: {  	_ =	shalt  }
0x64: {  	_ =	shalt  }
0x65: {  	_ =	shalt  }
0x66: {  	_ =	shalt  }
0x67: {  	_ =	shalt  }
0x68: {  	_ =	shalt  }
0x69: {  	_ =	shalt  }
0x6a: {  	_ =	shalt  }
0x6b: {  	_ =	shalt  }
0x6c: {  	_ =	shalt  }
0x6d: {  	_ =	shalt  }
0x6e: {  	_ =	shalt  }
0x6f: {  	_ =	shalt  }
0x70: {  	_ =	shalt  }
0x71: {  	_ =	shalt  }
0x72: {  	_ =	shalt  }
0x73: {  	_ =	shalt  }
0x74: {  	_ =	shalt  }
0x75: {  	_ =	shalt  }
0x76: {  	_ =	shalt  }
0x77: {  	_ =	shalt  }
0x78: {  	_ =	shalt  }
0x79: {  	_ =	shalt  }
0x7a: {  	_ =	shalt  }
0x7b: {  	_ =	shalt  }
0x7c: {  	_ =	shalt  }
0x7d: {  	_ =	shalt  }
0x7e: {  	_ =	shalt  }
0x7f: {  	_ =	shalt  }
0x80: {  	_ =	shalt  }
0x81: {  	_ =	shalt  }
0x82: {  	_ =	shalt  }
0x83: {  	_ =	shalt  }
0x84: {  	_ =	shalt  }
0x85: {  	_ =	shalt  }
0x86: {  	_ =	shalt  }
0x87: {  	_ =	shalt  }
.Lfunc_end0:
.L_simem_size_0:
called_computation_lowered:
.L_overlay_start_0:
0x88: {  	s2 =	sld [smem:$0x3FD9]  }
0x89: {  	s3 =	sld [smem:$0x3FFE];
	_ =	sdelay $0x1  }
0x8a: {  	s1 =	srdreg.scid  }
0x8b: {  	s0 =	sand.u32 $0x1, s1  }
0x8c: {  	s18 =	sshll.u32 s0, $0xA;
	s2 =	sadd.s32 s3, s2  }
0x8d: {  	s2 =	sadd.s32 s2, s18  }
0x8e: {  	[smem:$0x3FC5] =	sst s2  }
0x8f: {  	_ = 	snop  }
0x90: {  	s2 =	sld [smem:$0x3FC9]  }
0x91: {  	s19 =	sld [smem:$0x3FC8]  }
0x92: {  	s4 =	sld [smem:$0x3FC7]  }
0x93: {  	s5 =	sld [smem:$0x3FD0];
	(tm) =	ssettm $0x1  }
0x94: {  	s6 =	sld [smem:$0x3FFB];
	_ =	sdelay $0x3  }
0x95: {  	_ =	strace s6  }
0x96: {  	s6 =	sld [smem:$0x3FFC];
	_ =	sdelay $0x3  }
0x97: {  	_ =	strace s6  }
0x98: {  	s6 =	sld [smem:$0x3FFD];
	_ =	sdelay $0x3  }
0x99: {  	_ =	strace s6  }
0x9a: {  	_ =	strace $0x8FFFFFFF  }
0x9b: {  	s20 =	sld [smem:$0x3FDB];
	_ =	sdelay $0x1  }
0x9c: {  	s7 =	simm.s32 $_scs_section_size  }
0x9d: {  	s8 =	simm.s32 $_size__tile_overlayer_lowered;
	s9 =	simm.s32 $_tile_overlayer_lowered  }
0x9e: {  	s23 =	simm.s32 $0x1BFF;
	s22 =	sshll.u32 s9, $0x1;
	s6 =	sadd.s32 s7, s20  }
0x9f: {  	s10 =	simm.s32 $0x0;
	s21 =	sshll.u32 s8, $0x1;
	s8 =	sadd.s32 s22, s6  }
0xa0: {  	[timem:s10], [sflag:s23] =	dma.local [hbm:s8], s21  }
0xa1: {  	_ =	swait.ge [sflag:s23], s21  }
0xa2: {  	s7 =	ssub.s32 $0x0, s21;
	[sflag:s23] =	ssyncset.done $0x0  }
0xa3: {  	[sflag:s23] =	ssyncadd.s32 s7;
	_ =	sdelay $0x1  }
0xa4: {  	s24 =	simm.s32 $0x1B8B  }
0xa5: {  	_ =	swait.ge [sflag:s24], $0x1  }
0xa6: {  	[sflag:s24] =	ssyncset.done $0x0  }
0xa7: {  	s25 =	simm.s32 $0x1B8E;
	[sflag:s24] =	ssyncadd.s32 $0xFFFFFFFF  }
0xa8: {  	s26 =	simm.s32 $execute0_lowered;
	[smem:$0x3FD2] =	sst s25  }
0xa9: {  	s7 =	sshll.u32 s26, $0x1;
	_ =	strace $0x80000046;
	[dreg:$0x1] =	wrdreg $0xFFFFFFFF  }
0xaa: {  	s28 =	simm.s32 $_size_execute0_lowered;
	s6 =	sadd.s32 s6, s7;
	[dreg:$0x0] =	wrdreg $0x0  }
0xab: {  	s7 =	sshll.u32 s28, $0x1;
	[dreg:$0x2] =	wrdreg s6  }
0xac: {  	[dreg:$0x3] =	wrdreg s7  }
0xad: {  	[dreg:$0x4] =	wrdreg $0xC0  }
0xae: {  	_ =	task [dreg:s10], $0x5FFFF  }
0xaf: {  	[dreg:$0x1] =	wrdreg $0xFFFFFFFF  }
0xb0: {  	[dreg:$0x0] =	wrdreg $0x60  }
0xb1: {  	[dreg:$0x2] =	wrdreg s2  }
0xb2: {  	[dreg:$0x3] =	wrdreg s19  }
0xb3: {  	[dreg:$0x4] =	wrdreg s4  }
0xb4: {  	[dreg:$0x5] =	wrdreg s5  }
0xb5: {  	[dreg:$0x6] =	wrdreg $0x9  }
0xb6: {  	_ =	task.clear_ibuf [dreg:s10], $0x7FFFF;
	_ =	strace $0x90000046  }
0xb7: {  	s29 =	simm.s32 $0x9;
	_ =	strace $0x80000048  }
0xb8: {  	_ =	swait.ge [sflag:s29], $0x1  }
0xb9: {  	[sflag:s29] =	ssyncadd.s32 $0xFFFFFFFF  }
0xba: {  	_ =	strace $0x90000048  }
0xbb: {  	_ =	sfence  }
0xbc: {  	s30 =	sld [smem:$0x0];
	_ =	sdelay $0x2  }
0xbd: {  	s31 =	sshll.u32 s1, $0xD;
	s1 =	sshrl.u32 s1, $0x2  }
0xbe: {  	s3 =	sand.u32 $0x4000, s31;
	s1 =	sadd.s32 s1, s30  }
0xbf: {  	s0 =	sor.u32 s3, s0;
	s1 =	sshll.u32 s1, $0x11  }
0xc0: {  	s0 =	sor.u32 s1, s0  }
0xc1: {  	s0 =	sadd.s32 $0x8F2B, s0  }
0xc2: {  	[sflag:s0] =	ssyncadd.remote.s32 $0x1  }
0xc3: {  	_ =	sfence.sel $0xFFFF  }
0xc4: {  	[dreg:$0x0] =	wrdreg $0xFFFFFFFF;
	(pc) =	sbr.abs _section_cstart, $3  }
0xc5: {  	[dreg:$0x1] =	wrdreg $0xFFFFFFFF  }
0xc6: {  	_ =	task.clear_ibuf [dreg:s10], $0x2FFFF;
	_ =	strace $0x9FFFFFFF  }
0xc7: {  	(tm) =	ssettm $0x7FFFFFFF  }
tec
execute0_lowered:
.L_overlay_start_1:
0x0: {  	(tag) =	ssettag $0x1  }
0x1: {  	s13 =	rddreg [dreg:$0x0]  }
0x2: {  	s0 =	srdreg.scid;
	s14 =	rddreg [dreg:$0x1]  }
0x3: {  	s11 =	stileid.u32;
	s3 =	rddreg [dreg:$0x2];
	s4 =	simm.s32 $0x1  }
0x4: {  	s5 =	simm.s32 $0x0;
	s20 =	simm.s32 $0x10000;
	s29 =	simm.s32 $0x4  }
0x5: {  	s0 =	sand.u32 $0x1, s0;
	s2 =	sand.u32 $0x1, s11;
	[smem:$0x7FF] =	sst s5  }
0x6: {  	s26 =	sshll.u32 s11, $0x3;
	s15 =	sadd.s32 $0x8000, s13;
	s1 =	sshll.u32 s0, $0x4  }
0x7: {  	s18 =	sadd.s32 $0x8000, s14;
	p1 =	seq.s32 s2, $0x1;
	s1 =	sor.u32 s11, s1  }
0x8: {  	s21 =	ssub.s32 $0x2, s0;
	_ =	strace $0x80000047;
	p0 =	seq.s32 s1, $0x0  }
0x9: {  	s25 =	smul.u32 $0x22, s2;
	s0 =	sshll.u32 s0, $0x10;
	p0 =	por !p0, !p1  }
0xa: {  	s8 =	sshrl.u32 s21, $0x1;
	s1 =	sshrl.u32 s1, $0x1;
	p0 =	por !p0, !p0  }
0xb: {  	[dreg:$0xa] =	wrdreg s25;
	s25 =	simm.s32 $0x16080;
	s4 =	simm.s32 @!p0 $0x0  }
0xc: {  	p0 =	seq.s32 s2, $0x0;
	s1 =	ssub.s32 s1, s4;
	s4 =	ssub.s32 s21, s8  }
0xd: {  	s21 =	simm.s32 $0x80;
	s6 =	sshll.u32 s1, $0xE;
	s7 =	sshll.u32 s1, $0x7  }
0xe: {  	s10 =	sshll.u32 s1, $0x13;
	s30 =	sshll.u32 s1, $0x10;
	s16 =	sshll.u32 s1, $0x16  }
0xf: {  	s31 =	smax.u32 s4, $0x1;
	s9 =	sand.u32 $0xFFFE0000, s6;
	s22 =	sand.u32 $0x380, s7  }
0x10: {  	s7 =	simm.s32 $0x1;
	s23 =	sand.u32 $0x1FF80000, s10;
	s17 =	sadd.s32 $0x100000, s30  }
0x11: {  	[dreg:$0x9] =	wrdreg s31;
	s8 =	smov.u32 s22;
	s6 =	sor.u32 s22, s9  }
0x12: {  	s9 =	ssub.s32 $0x22, s2;
	s2 =	sand.u32 $0x70, s26;
	s26 =	simm.s32 $0x2  }
0x13: {  	s6 =	sshrl.u32 s6, $0x3;
	s28 =	sadd.s32 s13, s2;
	s2 =	sor.u32 s2, s0  }
0x14: {  	s12 =	smov.u32 s6;
	s6 =	sadd.s32 s3, s6;
	s3 =	sadd.s32 s23, s14  }
.Ltmp0:
0x15: {  	s0 =	sadd.s32 s0, s28;
	s2 =	sadd.s32 s2, s15;
	(pc) =	sbr.rel .LBB2_1-.Ltmp0, $4  }
0x16: {  	[dreg:$0x5] =	wrdreg s6;
	s24 =	sadd.s32 $0x2000, s6;
	s10 =	sadd.s32 $0x30070, s3  }
0x17: {  	v0 =	vlaneseq.u32;
	s11 =	sadd.s32 $0x38070, s3;
	[dreg:$0x6] =	wrdreg s24;
	s10 =	smov.u32 @p0 s0  }
0x18: {  	v0 =	vmul.u32 $0x40000, v0;
	s6 =	simm.s32 $0x400;
	s11 =	smov.u32 @p0 s2;
	[dreg:$0x7] =	wrdreg s10  }
0x19: {  	s24 =	simm.s32 $0x8000;
	s2 =	simm.s32 $0x0;
	[dreg:$0x8] =	wrdreg s11  }
.LBB2_18:
0x1a: {  	s1 =	simm.s32 $0x3  }
0x1b: {  	_ =	swait.ge [sflag:s1], $0x4000  }
0x1c: {  	[sflag:s1] =	ssyncset.done $0x0  }
0x1d: {  	[sflag:s1] =	ssyncadd.s32 $0xFFFFC000  }
0x1e: {  	_ =	swait.ge [sflag:s1], $0x4000  }
0x1f: {  	s2 =	rddreg [dreg:$0xb]  }
0x20: {  	s0 =	rddreg [dreg:$0x9];
	s2 =	sadd.s32 $0x1, s2  }
0x21: {  	p0 =	sne.s32 s2, s0  }
.Ltmp1:
0x22: {  	_ = 	snop;
	(pc) =	sbr.rel @!p0 .LBB2_19-.Ltmp1, $3  }
0x23: {  	_ =	sdelay $0x1  }
0x24: {  	[sflag:s1] =	ssyncset.done $0x0  }
0x25: {  	s20 =	simm.s32 $0x10000;
	s29 =	simm.s32 $0x4;
	[sflag:s1] =	ssyncadd.s32 $0xFFFFC000  }
.LBB2_1:
0x26: {  	[dreg:$0xb] =	wrdreg s2  }
0x27: {  	s0 =	rddreg [dreg:$0x5]  }
0x28: {  	[tilespmem:s20], [sflag:$0x4] =	stream.strided.gather [hbm4b:s0+s21], $0x2000, s6, s21, $0x38;
	[tilespmem:$0x1E080] =	vst v63  }
0x29: {  	_ =	swait.ge [sflag:s29], $0x2000  }
0x2a: {  	[sflag:s29] =	ssyncset.done $0x0  }
0x2b: {  	s19 =	simm.s32 $0x10020;
	[sflag:s29] =	ssyncadd.s32 $0xFFFFE000  }
0x2c: {  	v1 =	vmov s5;
	v2 =	vld [tilespmem:s19+$0xFFFFFFE0]  }
0x2d: {  	s1 =	simm.s32 $0x10;
	s22 =	simm.s32 $0x20;
	s3 =	simm.s32 $0x30;
	v1 =	vshll.u32 v1, $0x12;
	v3 =	vld [tilespmem:s19+$0xFFFFFFF0]  }
0x2e: {  	v4 =	vmov s1;
	v6 =	vmov s22;
	v7 =	vmov s3;
	v5 =	vld [tilespmem:s19+$0x0]  }
0x2f: {  	v1 =	vor.u32 v0, v1;
	v4 =	vshll.u32 v4, $0x12;
	v6 =	vshll.u32 v6, $0x12;
	v8 =	vld [tilespmem:s19+$0x10]  }
0x30: {  	v7 =	vshll.u32 v7, $0x12;
	v4 =	vor.u32 v0, v4;
	v6 =	vor.u32 v0, v6  }
0x31: {  	vm8 =	vlt.s32 v2, $0x8000;
	v1 =	vor.u32 v1, v2;
	vm0 =	vge.s32 v2, $0x8000  }
0x32: {  	v2 =	vor.u32 v4, v3;
	vm3 =	vlt.s32 v3, $0x8000;
	v9 =	vmpcnt.ones.xlane vm8  }
0x33: {  	vm6 =	vlt.s32 v5, $0x8000;
	vm7 =	vge.s32 v3, $0x8000;
	v3 =	vmpcnt.ones.xlane vm3  }
0x34: {  	vm9 =	vlt.s32 v8, $0x8000;
	v10 =	vmpcnt.ones.xlane vm6;
	(v2sf) =	vpush v9, $0x0  }
0x35: {  	s0 =	simm.s32 $0x10060;
	v7 =	vor.u32 v0, v7;
	v9 =	vmpcnt.ones.xlane vm9;
	(v2sf) =	vpush v3, $0x0  }
0x36: {  	v4 =	vor.u32 v6, v5;
	vm1 =	vge.s32 v5, $0x8000;
	v5 =	vld [tilespmem:s0+$0xFFFFFFE0];
	(v2sf) =	vpush v10, $0x0  }
0x37: {  	s28 =	simm.s32 $0x50;
	v12 =	vld [tilespmem:s0+$0xFFFFFFF0];
	v6 =	vor.u32 v7, v8;
	vm4 =	vge.s32 v8, $0x8000;
	(v2sf) =	vpush v9, $0x0  }
0x38: {  	s23 =	simm.s32 $0x40;
	v8 =	vmov s28;
	vm2 =	vmmov vm0;
	vm5 =	vmmov vm3  }
0x39: {  	vm0 =	vmmov vm7;
	vm3 =	vmmov vm6;
	v3 =	vmov s23  }
0x3a: {  	vm6 =	vmmov vm9;
	v8 =	vshll.u32 v8, $0x12;
	v3 =	vshll.u32 v3, $0x12  }
0x3b: {  	v7 =	vld [tilespmem:s0+$0x0];
	v8 =	vor.u32 v0, v8;
	vm7 =	vge.s32 v5, $0x8000;
	v3 =	vor.u32 v0, v3  }
0x3c: {  	s30 =	simm.s32 $0x60;
	s31 =	simm.s32 $0x70;
	vm9 =	vlt.s32 v5, $0x8000;
	v3 =	vor.u32 v3, v5;
	v5 =	vor.u32 v8, v12;
	v8 =	vld [tilespmem:s0+$0x10]  }
0x3d: {  	v10 =	vmov s31;
	v9 =	vmov s30  }
0x3e: {  	vm11 =	vlt.s32 v12, $0x8000;
	v11 =	vshll.u32 v10, $0x12;
	v9 =	vshll.u32 v9, $0x12  }
0x3f: {  	s2 =	simm.s32 $0x80;
	v10 =	vor.u32 v0, v9;
	v9 =	vor.u32 v0, v11;
	v11 =	vmpcnt.ones.xlane vm9  }
0x40: {  	s4 =	simm.s32 $0x0;
	s1 =	simm.s32 $0x4;
	s3 =	simm.s32 $0x0;
	[tilespmem:s5+$0x12000] =	vst.msk vm8, v1;
	vm8 =	vge.s32 v12, $0x8000;
	vm10 =	vlt.s32 v7, $0x8000;
	v12 =	vmpcnt.ones.xlane vm11  }
.LBB2_2:
0x41: {  	v13 =	vmpcnt.ones.xlane vm10;
	vm15 =	vlt.s32 v8, $0x8000;
	(v2sf) =	vpush v11, $0x0  }
0x42: {  	s10 =	sadd.s32 $0x10, s2;
	vm13 =	vmmov vm1;
	vm14 =	vmmov vm4;
	vm12 =	vmmov vm2  }
0x43: {  	s11 =	sadd.s32 $0x20, s2;
	s13 =	sadd.s32 $0x30, s2;
	v10 =	vor.u32 v10, v7;
	v11 =	vmpcnt.ones.xlane vm15;
	(v2sf) =	vpush v12, $0x0;
	s14 =	spop (v2sf)  }
0x44: {  	vm1 =	vge.s32 v7, $0x8000;
	v9 =	vor.u32 v9, v8;
	s0 =	sadd.s32 $0x40, s0;
	(v2sf) =	vpush v13, $0x0;
	s19 =	ssub.s32 s4, s14;
	s4 =	spop (v2sf)  }
0x45: {  	vm4 =	vge.s32 v8, $0x8000;
	vm2 =	vmmov vm7;
	s3 =	sadd.s32 s3, s14;
	(v2sf) =	vpush v11, $0x0;
	s14 =	ssub.s32 s19, s4;
	s22 =	spop (v2sf)  }
0x46: {  	vm7 =	vmmov vm0;
	vm0 =	vmmov vm8;
	[tilespmem:s3+$0x12000] =	vst.msk vm5, v2;
	s3 =	sadd.s32 s3, s4;
	s23 =	ssub.s32 s14, s22;
	s28 =	spop (v2sf);
	vm5 =	vmmov vm11  }
0x47: {  	s1 =	sadd.s32 $0x4, s1;
	[tilespmem:s3+$0x12000] =	vst.msk vm3, v4;
	s3 =	sadd.s32 s3, s22;
	s22 =	ssub.s32 s23, s28;
	vm3 =	vmmov vm10  }
0x48: {  	v7 =	vmov s2;
	p0 =	slt.u32 s1, $0x1FC;
	v11 =	vld [tilespmem:s0+$0xFFFFFFE0];
	[tilespmem:s3+$0x12000] =	vst.msk vm6, v6;
	s4 =	sadd.s32 $0x40, s22;
	s3 =	sadd.s32 s3, s28;
	vm6 =	vmmov vm15  }
0x49: {  	v7 =	vshll.u32 v7, $0x12;
	v8 =	vmov s10;
	s10 =	ssub.s32 $0x15FE0, s14;
	s14 =	ssub.s32 $0x15FD0, s23;
	s22 =	ssub.s32 $0x15FC0, s22;
	v12 =	vld [tilespmem:s0+$0xFFFFFFF0];
	[tilespmem:s3+$0x12000] =	vst.msk vm9, v3  }
0x4a: {  	v14 =	vmov s11;
	v15 =	vmov s13;
	v13 =	vor.u32 v0, v7;
	s11 =	ssub.s32 $0x15FF0, s19;
	v7 =	vld [tilespmem:s0+$0x0];
	[tilespmem:s22+$0x0] =	vst.msk vm14, v6;
	v6 =	vmovc v9  }
.Ltmp2:
0x4b: {  	v14 =	vshll.u32 v14, $0x12;
	v15 =	vshll.u32 v15, $0x12;
	v9 =	vshll.u32 v8, $0x12;
	v8 =	vld [tilespmem:s0+$0x10];
	[tilespmem:s14+$0x0] =	vst.msk vm13, v4;
	v4 =	vmovc v10;
	(pc) =	sbr.rel @p0 .LBB2_2-.Ltmp2, $4  }
0x4c: {  	v16 =	vor.u32 v0, v9;
	v10 =	vor.u32 v0, v14;
	v9 =	vor.u32 v0, v15;
	[tilespmem:s10+$0x0] =	vst.msk vm7, v2  }
0x4d: {  	v2 =	vmovc v5;
	vm7 =	vge.s32 v11, $0x8000;
	vm9 =	vlt.s32 v11, $0x8000;
	[tilespmem:s11+$0x0] =	vst.msk vm12, v1;
	v1 =	vmovc v3;
	v3 =	vor.u32 v13, v11  }
0x4e: {  	v11 =	vmpcnt.ones.xlane vm9;
	v5 =	vor.u32 v16, v12;
	vm11 =	vlt.s32 v12, $0x8000  }
0x4f: {  	s2 =	sadd.s32 $0x40, s2;
	vm8 =	vge.s32 v12, $0x8000;
	v12 =	vmpcnt.ones.xlane vm11;
	vm10 =	vlt.s32 v7, $0x8000  }
0x50: {  	v13 =	vmpcnt.ones.xlane vm10;
	vm12 =	vlt.s32 v8, $0x8000;
	(v2sf) =	vpush v11, $0x0  }
0x51: {  	v11 =	vmpcnt.ones.xlane vm12;
	(v2sf) =	vpush v12, $0x0  }
0x52: {  	(v2sf) =	vpush v13, $0x0  }
0x53: {  	(v2sf) =	vpush v11, $0x0;
	_ =	sdelay $0x3  }
0x54: {  	s0 =	spop (v2sf)  }
0x55: {  	s1 =	ssub.s32 s4, s0;
	s0 =	sadd.s32 s3, s0;
	s2 =	spop (v2sf)  }
0x56: {  	[tilespmem:s0+$0x12000] =	vst.msk vm5, v2;
	s13 =	spop (v2sf);
	s0 =	sadd.s32 s0, s2  }
0x57: {  	s11 =	ssub.s32 s1, s2;
	[tilespmem:s0+$0x12000] =	vst.msk vm3, v4;
	s0 =	sadd.s32 s0, s13  }
0x58: {  	vm0 =	vmmov vm0;
	s10 =	spop (v2sf);
	s3 =	ssub.s32 $0x15FE0, s11;
	[tilespmem:s0+$0x12000] =	vst.msk vm6, v6  }
0x59: {  	s14 =	ssub.s32 s11, s13;
	s0 =	sadd.s32 s0, s10;
	[tilespmem:s3+$0x0] =	vst.msk vm0, v2  }
0x5a: {  	vm1 =	vmmov vm1;
	s19 =	ssub.s32 s14, s10;
	s2 =	ssub.s32 $0x15FD0, s14;
	[tilespmem:s0+$0x12000] =	vst.msk vm9, v3  }
0x5b: {  	vm3 =	vmmov vm4;
	s22 =	ssub.s32 $0x15FC0, s19;
	[tilespmem:s2+$0x0] =	vst.msk vm1, v4  }
0x5c: {  	s1 =	ssub.s32 $0x15FF0, s1;
	s4 =	sadd.s32 $0x40, s19;
	vm1 =	vmmov vm2;
	[tilespmem:s22+$0x0] =	vst.msk vm3, v6;
	s23 =	spop (v2sf)  }
0x5d: {  	vm0 =	vmmov vm11;
	[tilespmem:s1+$0x0] =	vst.msk vm1, v1;
	s28 =	ssub.s32 s4, s23;
	s30 =	spop (v2sf);
	s0 =	sadd.s32 s0, s23  }
0x5e: {  	v1 =	vor.u32 v10, v7;
	vm1 =	vmmov vm10;
	s31 =	ssub.s32 s28, s30;
	s11 =	spop (v2sf);
	[tilespmem:s0+$0x12000] =	vst.msk vm0, v5;
	s2 =	sadd.s32 s0, s30  }
0x5f: {  	v2 =	vor.u32 v9, v8;
	vm2 =	vmmov vm12;
	s13 =	ssub.s32 s31, s11;
	s14 =	spop (v2sf);
	[tilespmem:s2+$0x12000] =	vst.msk vm1, v1;
	s1 =	sadd.s32 s2, s11;
	vm1 =	vge.s32 v7, $0x8000  }
0x60: {  	vm0 =	vge.s32 v8, $0x8000;
	s19 =	ssub.s32 s13, s14;
	[tilespmem:s1+$0x12000] =	vst.msk vm2, v2;
	vm1 =	vmmov vm1;
	s4 =	ssub.s32 $0x15FD0, s13  }
0x61: {  	vm0 =	vmmov vm0;
	vm2 =	vmmov vm8;
	s11 =	ssub.s32 $0x15FC0, s19;
	[tilespmem:s4+$0x0] =	vst.msk vm1, v1  }
0x62: {  	s10 =	ssub.s32 $0x15FE0, s31;
	vm2 =	vmmov vm2;
	[tilespmem:s11+$0x0] =	vst.msk vm0, v2;
	vm0 =	vmmov vm7  }
0x63: {  	s3 =	ssub.s32 $0x15FF0, s28;
	[tilespmem:s10+$0x0] =	vst.msk vm2, v5;
	vm0 =	vmmov vm0  }
0x64: {  	[tilespmem:s3+$0x0] =	vst.msk vm0, v3  }
0x65: {  	s3 =	rddreg [dreg:$0x6]  }
0x66: {  	[tilespmem:s20], [sflag:$0x4] =	stream.strided.gather [hbm4b:s3+s21], $0x2000, s6, s21, $0x38;
	[tilespmem:$0x1E080] =	vst v63  }
0x67: {  	_ =	swait.ge [sflag:s29], $0x2000  }
0x68: {  	[sflag:s29] =	ssyncset.done $0x0  }
0x69: {  	s20 =	simm.s32 $0x10020;
	[sflag:s29] =	ssyncadd.s32 $0xFFFFE000  }
0x6a: {  	v5 =	vld [tilespmem:s20+$0xFFFFFFE0]  }
0x6b: {  	v8 =	vld [tilespmem:s20+$0x10]  }
0x6c: {  	v10 =	vld [tilespmem:s20+$0x0]  }
0x6d: {  	v6 =	vld [tilespmem:s20+$0xFFFFFFF0];
	_ =	sdelay $0x2  }
0x6e: {  	vm0 =	vlt.s32 v5, $0x8000  }
0x6f: {  	v1 =	vmpcnt.ones.xlane vm0  }
0x70: {  	s21 =	simm.s32 $0x2020;
	vm2 =	vlt.s32 v8, $0x8000;
	vm3 =	vlt.s32 v10, $0x8000;
	vm4 =	vlt.s32 v6, $0x8000  }
0x71: {  	s23 =	simm.s32 $0x2000;
	v2 =	vmpcnt.ones.xlane vm2;
	(v2sf) =	vpush v1, $0x0;
	v1 =	vmov s21  }
0x72: {  	s28 =	simm.s32 $0x10060;
	v4 =	vmpcnt.ones.xlane vm3;
	v13 =	vshll.u32 v1, $0x12;
	v1 =	vmov s23  }
0x73: {  	v11 =	vmpcnt.ones.xlane vm4;
	(v2sf) =	vpush v2, $0x0;
	v3 =	vshll.u32 v1, $0x12;
	v1 =	vld [tilespmem:s28+$0xFFFFFFE0]  }
0x74: {  	v2 =	vld [tilespmem:s28+$0x10];
	(v2sf) =	vpush v4, $0x0  }
0x75: {  	v7 =	vld [tilespmem:s28+$0x0];
	v3 =	vor.u32 v0, v3;
	(v2sf) =	vpush v11, $0x0  }
0x76: {  	s22 =	simm.s32 $0x2010;
	v9 =	vor.u32 v3, v5;
	v3 =	vld [tilespmem:s28+$0xFFFFFFF0]  }
0x77: {  	v14 =	vmov s22  }
0x78: {  	v14 =	vshll.u32 v14, $0x12;
	s29 =	simm.s32 $0x2050;
	vm1 =	vmmov vm0;
	vm0 =	vlt.s32 v1, $0x8000  }
0x79: {  	v12 =	vmov s29;
	vm8 =	vlt.s32 v2, $0x8000;
	v15 =	vmpcnt.ones.xlane vm0  }
0x7a: {  	vm5 =	vlt.s32 v7, $0x8000;
	vm7 =	vmmov vm2;
	v16 =	vmpcnt.ones.xlane vm8  }
0x7b: {  	s30 =	simm.s32 $0x2060;
	v17 =	vmpcnt.ones.xlane vm5;
	vm6 =	vlt.s32 v3, $0x8000;
	(v2sf) =	vpush v15, $0x0  }
0x7c: {  	s31 =	simm.s32 $0x2040;
	v4 =	vmov s30;
	v15 =	vmpcnt.ones.xlane vm6;
	(v2sf) =	vpush v16, $0x0  }
0x7d: {  	v11 =	vshll.u32 v4, $0x12;
	v4 =	vmov s31;
	(v2sf) =	vpush v17, $0x0  }
0x7e: {  	s0 =	simm.s32 $0x2070;
	s2 =	simm.s32 $0x4;
	vm2 =	vmmov vm3;
	v4 =	vshll.u32 v4, $0x12;
	(v2sf) =	vpush v15, $0x0  }
0x7f: {  	s4 =	simm.s32 $0x100A0;
	s10 =	sadd.s32 $0x40, s19;
	s11 =	sadd.s32 s1, s14;
	vm3 =	vmmov vm4;
	vm4 =	vmmov vm7;
	v4 =	vor.u32 v0, v4  }
0x80: {  	s1 =	simm.s32 $0x2030;
	s3 =	simm.s32 $0x20B0;
	[tilespmem:s11+$0x12000] =	vst.msk vm1, v9;
	v4 =	vor.u32 v4, v1;
	vm1 =	vmmov vm8;
	vm0 =	vmmov vm0;
	s13 =	spop (v2sf)  }
.LBB2_4:
0x81: {  	s14 =	sadd.s32 $0xFFFFFFE0, s3;
	s19 =	sadd.s32 $0xFFFFFFF0, s3;
	v14 =	vor.u32 v0, v14;
	v16 =	vmov s1;
	vm8 =	vmmov vm2  }
0x82: {  	v15 =	vld [tilespmem:s4+$0xFFFFFFE0];
	s22 =	spop (v2sf);
	vm2 =	vmmov vm5;
	vm5 =	vmmov vm3;
	vm3 =	vmmov vm6;
	s1 =	smov.u32 s0;
	s0 =	smov.u32 s3  }
0x83: {  	s23 =	sadd.s32 $0xFFFFFFD0, s3;
	s2 =	sadd.s32 $0x4, s2;
	v17 =	vmov s14;
	v18 =	vmov s19;
	v19 =	vld [tilespmem:s4+$0x10];
	v16 =	vshll.u32 v16, $0x12;
	s14 =	spop (v2sf)  }
0x84: {  	s10 =	ssub.s32 s10, s13;
	s11 =	sadd.s32 s11, s13;
	v21 =	vor.u32 v0, v13;
	v13 =	vmovc v11;
	v14 =	vor.u32 v14, v6;
	v20 =	vld [tilespmem:s4+$0x0];
	s13 =	spop (v2sf);
	v11 =	vshll.u32 v18, $0x12  }
0x85: {  	s19 =	ssub.s32 $0x15FF0, s10;
	v21 =	vor.u32 v21, v10;
	v18 =	vmov s23;
	v16 =	vor.u32 v0, v16;
	v22 =	vld [tilespmem:s4+$0xFFFFFFF0];
	[tilespmem:s11+$0x12000] =	vst.msk vm5, v14;
	s10 =	ssub.s32 s10, s13;
	s11 =	sadd.s32 s11, s13  }
0x86: {  	vm7 =	vge.s32 v5, $0x8000;
	v5 =	vmovc v1;
	p0 =	slt.u32 s2, $0x1FC;
	v18 =	vshll.u32 v18, $0x12;
	v16 =	vor.u32 v16, v8;
	[tilespmem:s11+$0x12000] =	vst.msk vm8, v21;
	s13 =	ssub.s32 s10, s14;
	s11 =	sadd.s32 s11, s14  }
0x87: {  	vm5 =	vge.s32 v10, $0x8000;
	v10 =	vmovc v7;
	v18 =	vor.u32 v0, v18;
	s14 =	ssub.s32 $0x15FE0, s10;
	vm8 =	vlt.s32 v15, $0x8000;
	s10 =	ssub.s32 $0x15FD0, s13;
	[tilespmem:s11+$0x12000] =	vst.msk vm4, v16;
	s13 =	ssub.s32 s13, s22;
	v1 =	vmovc v15  }
0x88: {  	vm4 =	vge.s32 v8, $0x8000;
	s11 =	sadd.s32 s11, s22;
	v8 =	vmovc v2;
	v15 =	vmpcnt.ones.xlane vm8;
	vm9 =	vlt.s32 v19, $0x8000;
	[tilespmem:s10+$0x0] =	vst.msk vm5, v21;
	s10 =	sadd.s32 $0x40, s13;
	s13 =	ssub.s32 $0x15FC0, s13;
	v2 =	vmovc v19  }
.Ltmp3:
0x89: {  	vm10 =	vge.s32 v6, $0x8000;
	v6 =	vmovc v3;
	vm5 =	vlt.s32 v20, $0x8000;
	v19 =	vmpcnt.ones.xlane vm9;
	[tilespmem:s13+$0x0] =	vst.msk vm4, v16;
	v7 =	vmovc v20;
	(pc) =	sbr.rel @p0 .LBB2_4-.Ltmp3, $4  }
0x8a: {  	vm6 =	vlt.s32 v22, $0x8000;
	v16 =	vmpcnt.ones.xlane vm5;
	(v2sf) =	vpush v15, $0x0;
	[tilespmem:s14+$0x0] =	vst.msk vm10, v14;
	v3 =	vmovc v22  }
0x8b: {  	v14 =	vmpcnt.ones.xlane vm6;
	(v2sf) =	vpush v19, $0x0;
	[tilespmem:s19+$0x0] =	vst.msk vm7, v9;
	v9 =	vmovc v4;
	v4 =	vor.u32 v18, v1  }
0x8c: {  	vm4 =	vmmov vm1;
	(v2sf) =	vpush v16, $0x0;
	[tilespmem:s11+$0x12000] =	vst.msk vm0, v9;
	vm0 =	vmmov vm8  }
0x8d: {  	s3 =	sadd.s32 $0x40, s3;
	s4 =	sadd.s32 $0x40, s4;
	vm1 =	vmmov vm9;
	(v2sf) =	vpush v14, $0x0;
	v14 =	vshll.u32 v12, $0x12;
	s13 =	spop (v2sf);
	v12 =	vmovc v17  }
0x8e: {  	_ =	sdelay $0x4  }
0x8f: {  	s2 =	spop (v2sf)  }
0x90: {  	v14 =	vor.u32 v0, v14;
	v15 =	vmov s1;
	s3 =	spop (v2sf)  }
0x91: {  	vm3 =	vmmov vm3;
	s1 =	ssub.s32 s10, s13;
	s4 =	sadd.s32 s11, s13;
	v13 =	vor.u32 v0, v13;
	v14 =	vor.u32 v14, v6;
	s19 =	spop (v2sf)  }
0x92: {  	vm2 =	vmmov vm2;
	v15 =	vshll.u32 v15, $0x12;
	v13 =	vor.u32 v13, v10;
	[tilespmem:s4+$0x12000] =	vst.msk vm3, v14;
	s20 =	ssub.s32 s1, s19;
	s10 =	sadd.s32 s4, s19  }
0x93: {  	vm10 =	vge.s32 v5, $0x8000;
	v15 =	vor.u32 v0, v15;
	s1 =	ssub.s32 $0x15FF0, s1;
	s23 =	ssub.s32 s20, s3;
	[tilespmem:s10+$0x12000] =	vst.msk vm2, v13  }
0x94: {  	v15 =	vor.u32 v15, v8;
	s3 =	sadd.s32 s10, s3;
	s11 =	ssub.s32 $0x15FE0, s20;
	[tilespmem:s1+$0x0] =	vst.msk vm10, v9;
	s28 =	ssub.s32 $0x15FD0, s23  }
0x95: {  	vm8 =	vge.s32 v6, $0x8000;
	s19 =	sadd.s32 s3, s2;
	[tilespmem:s3+$0x12000] =	vst.msk vm4, v15;
	s2 =	ssub.s32 s23, s2;
	s21 =	spop (v2sf)  }
0x96: {  	vm13 =	vge.s32 v10, $0x8000;
	[tilespmem:s11+$0x0] =	vst.msk vm8, v14;
	s6 =	ssub.s32 $0x15FC0, s2;
	s2 =	sadd.s32 $0x40, s2;
	s14 =	spop (v2sf)  }
0x97: {  	vm14 =	vge.s32 v8, $0x8000;
	vm15 =	vmmov vm5;
	v61 =	vshll.u32 v12, $0x12;
	[tilespmem:s28+$0x0] =	vst.msk vm13, v13;
	s2 =	ssub.s32 s2, s21;
	s22 =	spop (v2sf)  }
0x98: {  	vm9 =	vmmov vm6;
	v62 =	vmov s0;
	v5 =	vor.u32 v0, v61;
	[tilespmem:s19+$0x12000] =	vst.msk vm0, v4;
	s3 =	sadd.s32 s19, s21;
	s0 =	ssub.s32 $0x15FF0, s2;
	s29 =	spop (v2sf)  }
0x99: {  	v63 =	vor.u32 v0, v11;
	v5 =	vor.u32 v5, v3;
	vm2 =	vmmov vm9;
	[tilespmem:s6+$0x0] =	vst.msk vm14, v15;
	s23 =	sadd.s32 s3, s29;
	s20 =	ssub.s32 s2, s29;
	s2 =	simm.s32 $0x1  }
0x9a: {  	v6 =	vshll.u32 v62, $0x12;
	vm11 =	vmmov vm15;
	v8 =	vor.u32 v63, v7;
	[tilespmem:s3+$0x12000] =	vst.msk vm2, v5;
	s10 =	sadd.s32 s23, s22;
	s4 =	ssub.s32 s20, s22;
	s1 =	ssub.s32 $0x15FE0, s20  }
0x9b: {  	v6 =	vor.u32 v0, v6;
	vm14 =	vge.s32 v3, $0x8000;
	[tilespmem:s23+$0x12000] =	vst.msk vm11, v8;
	s23 =	simm.s32 $0x0;
	s11 =	sadd.s32 s10, s14;
	s29 =	ssub.s32 $0x15FD0, s4  }
0x9c: {  	vm1 =	vmmov vm1;
	v6 =	vor.u32 v6, v2;
	s4 =	ssub.s32 s4, s14;
	[tilespmem:s1+$0x0] =	vst.msk vm14, v5;
	s1 =	simm.s32 $0x1;
	s21 =	sadd.s32 $0xF, s11  }
0x9d: {  	vm12 =	vge.s32 v7, $0x8000;
	[tilespmem:s10+$0x12000] =	vst.msk vm1, v6;
	s4 =	ssub.s32 $0x15FC0, s4;
	s10 =	sand.u32 $0xF, s11;
	s14 =	sshra.s32 s11, $0x1F  }
0x9e: {  	vm15 =	vge.s32 v1, $0x8000;
	[tilespmem:s29+$0x0] =	vst.msk vm12, v8;
	p2 =	slt.s32 s11, $0x1;
	s29 =	simm.s32 $0x400;
	s28 =	sshra.s32 s21, $0x1F  }
0x9f: {  	vm13 =	vge.s32 v2, $0x8000;
	[tilespmem:s0+$0x0] =	vst.msk vm15, v4;
	s6 =	sand.u32 $0xF, s21;
	p0 =	slt.s32 s21, $0x1;
	p3 =	sne.s32 s10, $0x0  }
0xa0: {  	[tilespmem:s4+$0x0] =	vst.msk vm13, v6;
	s19 =	sshrl.u32 s14, $0x1C;
	s13 =	sshrl.u32 s28, $0x1C;
	p1 =	sne.s32 s6, $0x0  }
0xa1: {  	p6 =	por !p2, !p3;
	s20 =	sadd.s32 s19, s11;
	s22 =	rddreg [dreg:$0x7]  }
0xa2: {  	s28 =	simm.s32 $0x80;
	p0 =	por !p0, !p1;
	p1 =	por !p6, !p6  }
0xa3: {  	[tilespmem:s23], [sflag:$0x1] =	stream.strided.gather [hbm4b:s22+s28], $0x8000, s29, s28, $0x38;
	[tilespmem:$0x1E080] =	vst v63  }
0xa4: {  	s13 =	sadd.s32 s13, s21;
	s21 =	sshra.s32 s20, $0x4;
	s2 =	simm.s32 @!p1 $0x0  }
0xa5: {  	s10 =	rddreg [dreg:$0x8];
	p0 =	por !p0, !p0;
	s30 =	ssub.s32 s21, s2  }
0xa6: {  	[tilespmem:s24], [sflag:$0x2] =	stream.strided.gather [hbm4b:s10+s28], $0x8000, s29, s28, $0x38;
	[tilespmem:$0x1E080] =	vst v63  }
0xa7: {  	s11 =	sshra.s32 s13, $0x4;
	s1 =	simm.s32 @!p0 $0x0;
	s2 =	ssub.s32 $0x400, s30  }
0xa8: {  	s31 =	ssub.s32 s11, s1;
	s13 =	sshra.s32 s2, $0x1F  }
0xa9: {  	s6 =	simm.s32 $0x400;
	s1 =	sshrl.u32 s31, $0x1C;
	s0 =	sshrl.u32 s13, $0x1C  }
0xaa: {  	s21 =	simm.s32 $0x80;
	s1 =	sadd.s32 s1, s31;
	s0 =	sadd.s32 s0, s2  }
0xab: {  	s28 =	sshll.u32 s30, $0x6;
	s3 =	sand.u32 $0xFFFFFFF0, s1;
	s1 =	sand.u32 $0xFFFFFFF0, s0  }
0xac: {  	s14 =	ssub.s32 s31, s3;
	s19 =	sshll.u32 s3, $0x6;
	p0 =	slt.s32 s3, $0x1  }
.Ltmp4:
0xad: {  	s0 =	ssub.s32 s2, s1;
	s11 =	sadd.s32 s30, s1;
	(pc) =	sbr.rel .LBB2_6-.Ltmp4, $4  }
0xae: {  	s2 =	sshra.s32 s19, $0x2;
	s19 =	sshll.u32 s30, $0x4;
	s20 =	sshll.u32 s0, $0x6  }
0xaf: {  	p1 =	slt.s32 s14, $0x1;
	p2 =	slt.s32 s1, $0x1;
	s10 =	ssub.s32 $0x0, s20  }
0xb0: {  	s22 =	sadd.s32 $0x12000, s2;
	s2 =	sshra.s32 s28, $0x2;
	s29 =	sshra.s32 s10, $0x2  }
0xb1: {  	p3 =	sgt.s32 s11, $0x3FF;
	s10 =	sadd.s32 $0x12090, s2;
	s13 =	sadd.s32 $0x16000, s29  }
.LBB2_17:
0xb2: {  	s1 =	smov.u32 s18  }
0xb3: {  	s2 =	simm.s32 @!p4 $0x80;
	s1 =	smov.u32 @p5 s15  }
0xb4: {  	s4 =	simm.s32 @!p4 $0x400;
	s20 =	simm.s32 @!p4 $0x8000;
	s1 =	sadd.s32 @!p4 s23, s1  }
0xb5: {  	[tilespmem:s20], [sflag:$0x2] =	stream.strided.gather @!p4 [hbm4b:s1+s2], $0x8000, s4, s2, $0x38;
	[tilespmem:$0x1E080] =	vst v63  }
0xb6: {  	p4 =	sne.s32 s28, s9  }
.Ltmp5:
0xb7: {  	_ = 	snop;
	(pc) =	sbr.rel @!p4 .LBB2_18-.Ltmp5, $4  }
0xb8: {  	s23 =	rddreg [dreg:$0x3];
	s20 =	sshll.u32 s29, $0xF  }
0xb9: {  	s1 =	sadd.s32 s23, s20  }
0xba: {  	s29 =	sadd.s32 $0x16080, s14;
	s23 =	smov.u32 s28;
	s1 =	sadd.s32 s12, s1  }
0xbb: {  	[hbm4b:s1+s21] =	stream.strided.scatter [tilespmem:s29], [sflag:$0x3], $0x4000, s6, s21, $0x38;
	[tilespmem:$0x1E080] =	vst v63  }
.LBB2_6:
0xbc: {  	p4 =	slt.u32 s23, $0x2  }
0xbd: {  	s1 =	simm.s32 @!p4 $0x3  }
0xbe: {  	_ =	swait.ge @!p4 [sflag:s1], $0x4000  }
.Ltmp6:
0xbf: {  	[sflag:s1] =	ssyncset.done @!p4 $0x0;
	(pc) =	sbr.rel @p0 .LBB2_10-.Ltmp6, $4  }
0xc0: {  	[sflag:s1] =	ssyncadd.s32 @!p4 $0xFFFFC000  }
0xc1: {  	s29 =	sshll.u32 s23, $0xE;
	_ =	swait.ge [sflag:s7], $0x8000  }
0xc2: {  	s14 =	sand.u32 $0x4000, s29;
	[sflag:s7] =	ssyncset.done $0x0  }
0xc3: {  	v1 =	vmov s14;
	[sflag:s7] =	ssyncadd.s32 $0xFFFF8000  }
0xc4: {  	s1 =	simm.s32 $0x12080  }
0xc5: {  	v2 =	vld [tilespmem:s1+$0x70]  }
0xc6: {  	v3 =	vld [tilespmem:s1+$0xFFFFFF90]  }
0xc7: {  	v4 =	vld [tilespmem:s1+$0xFFFFFFA0]  }
0xc8: {  	v5 =	vld [tilespmem:s1+$0xFFFFFFB0]  }
0xc9: {  	v6 =	vld [tilespmem:s1+$0xFFFFFFC0]  }
0xca: {  	v7 =	vld [tilespmem:s1+$0xFFFFFFD0]  }
0xcb: {  	v20 =	vld [tilespmem:s1+$0x10];
	v8 =	vand.u32 $0x7FFF, v2;
	v9 =	vand.u32 $0x8000, v3  }
0xcc: {  	v26 =	vld [tilespmem:s1+$0x30];
	v10 =	vand.u32 $0x7FFF, v3;
	v11 =	vshrl.u32 v3, $0x12;
	v12 =	vand.u32 $0x8000, v4  }
0xcd: {  	v30 =	vld [tilespmem:s1+$0x40];
	v13 =	vand.u32 $0x7FFF, v4;
	v14 =	vshrl.u32 v4, $0x12;
	v15 =	vand.u32 $0x8000, v5  }
0xce: {  	v37 =	vld [tilespmem:s1+$0x60];
	v16 =	vand.u32 $0x7FFF, v5;
	v17 =	vshrl.u32 v5, $0x12;
	v18 =	vand.u32 $0x8000, v6  }
0xcf: {  	v19 =	vand.u32 $0x7FFF, v6;
	v21 =	vand.u32 $0x8000, v2;
	v22 =	vand.u32 $0x7FFF, v7  }
0xd0: {  	v3 =	vld [tilespmem:s1+$0xFFFFFFE0];
	v2 =	vshrl.u32 v2, $0x12;
	v23 =	vand.u32 $0x8000, v7;
	v32 =	vshrl.u32 v6, $0x12  }
0xd1: {  	v4 =	vld [tilespmem:s1+$0xFFFFFFF0];
	v34 =	vshrl.u32 v7, $0x12;
	v35 =	vand.u32 $0x8000, v20;
	v36 =	vand.u32 $0x7FFF, v20  }
0xd2: {  	v5 =	vld [tilespmem:s1+$0x0];
	v20 =	vshrl.u32 v20, $0x12;
	v45 =	vand.u32 $0x7FFF, v26;
	v46 =	vshrl.u32 v26, $0x12  }
0xd3: {  	v6 =	vld [tilespmem:s1+$0x50];
	v47 =	vand.u32 $0x7FFF, v30;
	v51 =	vand.u32 $0x7FFF, v37;
	vm0 =	veq.s32 v21, $0x0  }
0xd4: {  	v7 =	vld [tilespmem:s1+$0xFFFFFF80];
	v25 =	vor.u32 v1, v2;
	vm9 =	veq.s32 v9, $0x0;
	vm14 =	veq.s32 v12, $0x0  }
0xd5: {  	v21 =	vld [tilespmem:s1+$0x20];
	vm13 =	veq.s32 v15, $0x0;
	vm10 =	veq.s32 v18, $0x0;
	vm11 =	veq.s32 v23, $0x0  }
0xd6: {  	vm5 =	veq.s32 v35, $0x0;
	v24 =	vand.u32 $0x7FFF, v3;
	v27 =	vand.u32 $0x8000, v3;
	v41 =	vld.idx.msk [tilespmem:v8+s5+$0x0], $0xffff  }
0xd7: {  	v28 =	vand.u32 $0x8000, v4;
	v29 =	vand.u32 $0x7FFF, v4;
	v31 =	vand.u32 $0x8000, v5;
	v2 =	vld.idx.msk [tilespmem:v10+s5+$0x0], $0xffff  }
0xd8: {  	v33 =	vand.u32 $0x7FFF, v5;
	v38 =	vshrl.u32 v3, $0x12;
	v39 =	vshrl.u32 v4, $0x12;
	v3 =	vld.idx.msk [tilespmem:v13+s5+$0x0], $0xffff  }
0xd9: {  	v40 =	vshrl.u32 v5, $0x12;
	v4 =	vld.idx.msk [tilespmem:v16+s5+$0x0], $0xffff;
	v16 =	vshrl.u32 v30, $0x12;
	v48 =	vand.u32 $0x7FFF, v6  }
0xda: {  	v5 =	vld.idx.msk [tilespmem:v19+s5+$0x0], $0xffff;
	v49 =	vshrl.u32 v6, $0x12;
	v19 =	vand.u32 $0x8000, v37;
	v50 =	vand.u32 $0x7FFF, v7  }
0xdb: {  	v13 =	vshrl.u32 v37, $0x12;
	v8 =	vld.idx.msk [tilespmem:v36+s5+$0x0], $0xffff;
	v42 =	vand.u32 $0x8000, v21;
	v43 =	vand.u32 $0x7FFF, v21  }
0xdc: {  	v12 =	vld.idx.msk [tilespmem:v45+s5+$0x0], $0xffff;
	v44 =	vshrl.u32 v21, $0x12;
	v21 =	vand.u32 $0x8000, v26;
	v26 =	vand.u32 $0x8000, v30  }
0xdd: {  	v30 =	vand.u32 $0x8000, v6;
	v6 =	vand.u32 $0x8000, v7;
	v18 =	vor.u32 v1, v16;
	v16 =	vld.idx.msk [tilespmem:v51+s5+$0x0], $0xffff  }
0xde: {  	vm8 =	veq.s32 v27, $0x0;
	vm7 =	veq.s32 v28, $0x0;
	vm12 =	veq.s32 v6, $0x0;
	v6 =	vld.idx.msk [tilespmem:v22+s5+$0x0], $0xffff  }
0xdf: {  	vm6 =	veq.s32 v31, $0x0;
	v28 =	vor.u32 v1, v11;
	v22 =	vshrl.u32 v7, $0x12;
	v7 =	vld.idx.msk [tilespmem:v24+s5+$0x0], $0xffff  }
0xe0: {  	p4 =	sgt.s32 s3, $0x10;
	vm1 =	veq.s32 v19, $0x0;
	v27 =	vor.u32 v1, v34;
	v23 =	vor.u32 v1, v39;
	v9 =	vld.idx.msk [tilespmem:v29+s5+$0x0], $0xffff  }
.Ltmp7:
0xe1: {  	v19 =	vor.u32 v1, v46;
	v31 =	vor.u32 v1, v22;
	[tilespmem:v25+s25+$0x0] =	vst.idx.msk vm0, v41;
	v25 =	vld.idx.msk [tilespmem:v50+s5+$0x0], $0xffff;
	(pc) =	sbr.rel @!p4 .LBB2_9-.Ltmp7, $4  }
0xe2: {  	vm4 =	veq.s32 v42, $0x0;
	vm3 =	veq.s32 v21, $0x0;
	vm2 =	veq.s32 v26, $0x0;
	v10 =	vld.idx.msk [tilespmem:v33+s5+$0x0], $0xffff  }
0xe3: {  	v26 =	vor.u32 v1, v32;
	vm0 =	veq.s32 v30, $0x0;
	v30 =	vor.u32 v1, v14;
	v14 =	vld.idx.msk [tilespmem:v47+s5+$0x0], $0xffff  }
0xe4: {  	v21 =	vor.u32 v1, v20;
	v20 =	vor.u32 v1, v44;
	v29 =	vor.u32 v1, v17;
	v15 =	vld.idx.msk [tilespmem:v48+s5+$0x0], $0xffff  }
0xe5: {  	s2 =	simm.s32 $0x12180;
	s1 =	simm.s32 $0x10;
	v22 =	vor.u32 v1, v40;
	v24 =	vor.u32 v1, v38;
	v17 =	vor.u32 v1, v49;
	v11 =	vld.idx.msk [tilespmem:v43+s5+$0x0], $0xffff  }
.LBB2_8:
0xe6: {  	v32 =	vld [tilespmem:s2+$0x70];
	s1 =	sadd.s32 $0x10, s1;
	[tilespmem:v31+s25+$0x0] =	vst.idx.msk vm12, v25;
	v13 =	vor.u32 v1, v13  }
0xe7: {  	v25 =	vld [tilespmem:s2+$0xFFFFFF90];
	p4 =	slt.s32 s1, s3;
	[tilespmem:v28+s25+$0x0] =	vst.idx.msk vm9, v2  }
0xe8: {  	v2 =	vld [tilespmem:s2+$0xFFFFFFA0];
	[tilespmem:v30+s25+$0x0] =	vst.idx.msk vm14, v3  }
0xe9: {  	v3 =	vld [tilespmem:s2+$0xFFFFFFB0];
	[tilespmem:v29+s25+$0x0] =	vst.idx.msk vm13, v4  }
0xea: {  	v4 =	vld [tilespmem:s2+$0xFFFFFFC0];
	[tilespmem:v26+s25+$0x0] =	vst.idx.msk vm10, v5  }
0xeb: {  	v5 =	vld [tilespmem:s2+$0xFFFFFFD0];
	v26 =	vand.u32 $0x7FFF, v32;
	[tilespmem:v27+s25+$0x0] =	vst.idx.msk vm11, v6  }
0xec: {  	v27 =	vand.u32 $0x8000, v25;
	v6 =	vand.u32 $0x7FFF, v25;
	v28 =	vshrl.u32 v25, $0x12;
	v25 =	vld [tilespmem:s2+$0xFFFFFFE0];
	[tilespmem:v24+s25+$0x0] =	vst.idx.msk vm8, v7  }
0xed: {  	v24 =	vand.u32 $0x8000, v2;
	v7 =	vand.u32 $0x7FFF, v2;
	v29 =	vshrl.u32 v2, $0x12;
	v2 =	vld [tilespmem:s2+$0xFFFFFFF0];
	[tilespmem:v23+s25+$0x0] =	vst.idx.msk vm7, v9  }
0xee: {  	v9 =	vand.u32 $0x8000, v3;
	v23 =	vand.u32 $0x7FFF, v3;
	v33 =	vshrl.u32 v3, $0x12;
	v3 =	vld [tilespmem:s2+$0x0];
	[tilespmem:v22+s25+$0x0] =	vst.idx.msk vm6, v10  }
0xef: {  	v31 =	vand.u32 $0x8000, v32;
	v10 =	vand.u32 $0x8000, v4;
	v22 =	vand.u32 $0x7FFF, v4;
	v30 =	vld [tilespmem:s2+$0x10];
	[tilespmem:v21+s25+$0x0] =	vst.idx.msk vm5, v8  }
0xf0: {  	vm5 =	veq.s32 v31, $0x0;
	v8 =	vand.u32 $0x7FFF, v5;
	v21 =	vld.idx.msk [tilespmem:v26+s5+$0x0], $0xffff;
	v26 =	vshrl.u32 v32, $0x12;
	[tilespmem:v20+s25+$0x0] =	vst.idx.msk vm4, v11  }
0xf1: {  	v11 =	vand.u32 $0x8000, v5;
	v20 =	vand.u32 $0x7FFF, v25;
	v31 =	vld [tilespmem:s2+$0x20];
	v26 =	vor.u32 v1, v26;
	[tilespmem:v19+s25+$0x0] =	vst.idx.msk vm3, v12  }
0xf2: {  	v12 =	vand.u32 $0x8000, v25;
	v19 =	vand.u32 $0x8000, v2;
	v32 =	vand.u32 $0x7FFF, v2;
	v34 =	vld [tilespmem:s2+$0x30];
	[tilespmem:v18+s25+$0x0] =	vst.idx.msk vm2, v14  }
0xf3: {  	v14 =	vshrl.u32 v4, $0x12;
	v18 =	vand.u32 $0x8000, v3;
	v35 =	vand.u32 $0x7FFF, v3;
	v36 =	vld [tilespmem:s2+$0x40];
	[tilespmem:v17+s25+$0x0] =	vst.idx.msk vm0, v15  }
0xf4: {  	v15 =	vshrl.u32 v5, $0x12;
	v17 =	vand.u32 $0x8000, v30;
	v37 =	vand.u32 $0x7FFF, v30;
	v38 =	vld [tilespmem:s2+$0x50];
	[tilespmem:v13+s25+$0x0] =	vst.idx.msk vm1, v16  }
0xf5: {  	v39 =	vshrl.u32 v2, $0x12;
	v40 =	vshrl.u32 v3, $0x12;
	v16 =	vshrl.u32 v25, $0x12;
	v13 =	vld [tilespmem:s2+$0x60]  }
0xf6: {  	v41 =	vshrl.u32 v30, $0x12;
	v25 =	vld [tilespmem:s2+$0xFFFFFF80];
	v30 =	vand.u32 $0x8000, v31;
	v42 =	vand.u32 $0x7FFF, v31;
	[tilespmem:v26+s25+$0x0] =	vst.idx.msk vm5, v21  }
0xf7: {  	v43 =	vshrl.u32 v31, $0x12;
	v2 =	vld.idx.msk [tilespmem:v6+s5+$0x0], $0xffff;
	v21 =	vand.u32 $0x8000, v34;
	v44 =	vand.u32 $0x7FFF, v34  }
0xf8: {  	v34 =	vshrl.u32 v34, $0x12;
	v3 =	vld.idx.msk [tilespmem:v7+s5+$0x0], $0xffff;
	v26 =	vand.u32 $0x8000, v36;
	v45 =	vand.u32 $0x7FFF, v36  }
0xf9: {  	v36 =	vshrl.u32 v36, $0x12;
	v4 =	vld.idx.msk [tilespmem:v23+s5+$0x0], $0xffff;
	v23 =	vand.u32 $0x8000, v38;
	v46 =	vand.u32 $0x7FFF, v38  }
0xfa: {  	v38 =	vshrl.u32 v38, $0x12;
	v5 =	vld.idx.msk [tilespmem:v22+s5+$0x0], $0xffff;
	v22 =	vand.u32 $0x8000, v13;
	v47 =	vand.u32 $0x7FFF, v13  }
0xfb: {  	v7 =	vand.u32 $0x8000, v25;
	v31 =	vand.u32 $0x7FFF, v25;
	v48 =	vshrl.u32 v25, $0x12;
	v6 =	vld.idx.msk [tilespmem:v8+s5+$0x0], $0xffff  }
0xfc: {  	vm9 =	veq.s32 v27, $0x0;
	v13 =	vshrl.u32 v13, $0x12;
	vm12 =	veq.s32 v7, $0x0;
	v7 =	vld.idx.msk [tilespmem:v20+s5+$0x0], $0xffff  }
0xfd: {  	vm14 =	veq.s32 v24, $0x0;
	vm13 =	veq.s32 v9, $0x0;
	vm10 =	veq.s32 v10, $0x0;
	v9 =	vld.idx.msk [tilespmem:v32+s5+$0x0], $0xffff  }
0xfe: {  	vm11 =	veq.s32 v11, $0x0;
	vm8 =	veq.s32 v12, $0x0;
	vm7 =	veq.s32 v19, $0x0;
	v10 =	vld.idx.msk [tilespmem:v35+s5+$0x0], $0xffff  }
0xff: {  	vm6 =	veq.s32 v18, $0x0;
	vm5 =	veq.s32 v17, $0x0;
	vm4 =	veq.s32 v30, $0x0;
	v8 =	vld.idx.msk [tilespmem:v37+s5+$0x0], $0xffff  }
0x100: {  	vm3 =	veq.s32 v21, $0x0;
	vm2 =	veq.s32 v26, $0x0;
	vm0 =	veq.s32 v23, $0x0;
	v25 =	vld.idx.msk [tilespmem:v31+s5+$0x0], $0xffff  }
.Ltmp8:
0x101: {  	v28 =	vor.u32 v1, v28;
	vm1 =	veq.s32 v22, $0x0;
	v31 =	vor.u32 v1, v48;
	v11 =	vld.idx.msk [tilespmem:v42+s5+$0x0], $0xffff;
	(pc) =	sbr.rel @p4 .LBB2_8-.Ltmp8, $4  }
0x102: {  	v30 =	vor.u32 v1, v29;
	v29 =	vor.u32 v1, v33;
	v26 =	vor.u32 v1, v14;
	v12 =	vld.idx.msk [tilespmem:v44+s5+$0x0], $0xffff  }
0x103: {  	v27 =	vor.u32 v1, v15;
	v24 =	vor.u32 v1, v16;
	v23 =	vor.u32 v1, v39;
	v14 =	vld.idx.msk [tilespmem:v45+s5+$0x0], $0xffff  }
0x104: {  	v21 =	vor.u32 v1, v41;
	v22 =	vor.u32 v1, v40;
	v20 =	vor.u32 v1, v43;
	v15 =	vld.idx.msk [tilespmem:v46+s5+$0x0], $0xffff  }
0x105: {  	s2 =	sadd.s32 $0x100, s2;
	v19 =	vor.u32 v1, v34;
	v18 =	vor.u32 v1, v36;
	v17 =	vor.u32 v1, v38;
	v16 =	vld.idx.msk [tilespmem:v47+s5+$0x0], $0xffff  }
.LBB2_9:
0x106: {  	_ =	sdelay $0x4  }
0x107: {  	[tilespmem:v31+s25+$0x0] =	vst.idx.msk vm12, v25  }
0x108: {  	[tilespmem:v28+s25+$0x0] =	vst.idx.msk vm9, v2  }
0x109: {  	[tilespmem:v30+s25+$0x0] =	vst.idx.msk vm14, v3  }
0x10a: {  	[tilespmem:v29+s25+$0x0] =	vst.idx.msk vm13, v4  }
0x10b: {  	[tilespmem:v26+s25+$0x0] =	vst.idx.msk vm10, v5  }
0x10c: {  	[tilespmem:v27+s25+$0x0] =	vst.idx.msk vm11, v6  }
0x10d: {  	[tilespmem:v24+s25+$0x0] =	vst.idx.msk vm8, v7  }
0x10e: {  	[tilespmem:v23+s25+$0x0] =	vst.idx.msk vm7, v9  }
0x10f: {  	[tilespmem:v21+s25+$0x0] =	vst.idx.msk vm5, v8  }
0x110: {  	v2 =	vor.u32 v1, v13;
	[tilespmem:v22+s25+$0x0] =	vst.idx.msk vm6, v10  }
0x111: {  	[tilespmem:v19+s25+$0x0] =	vst.idx.msk vm3, v12  }
0x112: {  	[tilespmem:v18+s25+$0x0] =	vst.idx.msk vm2, v14  }
0x113: {  	[tilespmem:v17+s25+$0x0] =	vst.idx.msk vm0, v15  }
0x114: {  	[tilespmem:v20+s25+$0x0] =	vst.idx.msk vm4, v11  }
0x115: {  	[tilespmem:v2+s25+$0x0] =	vst.idx.msk vm1, v16  }
.LBB2_10:
.Ltmp9:
0x116: {  	(pc) =	sbr.rel @p1 .LBB2_13-.Ltmp9, $1  }
0x117: {  	_ =	sdelay $0x3  }
0x118: {  	s1 =	smov.u32 s22;
	s2 =	smov.u32 s3  }
.LBB2_12:
0x119: {  	v2 =	vld [tilespmem:s1+$0x0];
	_ =	sdelay $0x4  }
0x11a: {  	v3 =	vand.u32 $0x7FFF, v2;
	_ =	sdelay $0x2  }
0x11b: {  	v4 =	vand.u32 $0x8000, v2  }
0x11c: {  	s2 =	sadd.s32 $0x1, s2;
	v2 =	vshrl.u32 v2, $0x12;
	vm0 =	veq.s32 v4, $0x0  }
0x11d: {  	p4 =	slt.s32 s2, s31;
	v2 =	vor.u32 v1, v2;
	v3 =	vld.idx.msk [tilespmem:v3+s5+$0x0], $0xffff  }
.Ltmp10:
0x11e: {  	_ = 	snop;
	(pc) =	sbr.rel @p4 .LBB2_12-.Ltmp10, $2  }
0x11f: {  	_ =	sdelay $0x2  }
0x120: {  	s1 =	sadd.s32 $0x10, s1;
	[tilespmem:v2+s25+$0x0] =	vst.idx.msk vm0, v3  }
.LBB2_13:
0x121: {  	s28 =	sadd.s32 $0x1, s23;
	s1 =	rddreg [dreg:$0xa]  }
0x122: {  	s29 =	sadd.s32 s1, s23;
	p4 =	sge.u32 s28, s9  }
0x123: {  	p6 =	sgt.u32 @!p4 s29, $0x1  }
0x124: {  	p5 =	por !p6, p4  }
0x125: {  	p6 =	por p6, p4;
	s1 =	sadd.s32 @!p5 $0xFFFFFFFE, s29  }
0x126: {  	s4 =	sshll.u32 @!p6 s23, $0x14;
	s2 =	sshll.u32 @!p5 s1, $0x10  }
0x127: {  	s1 =	sshll.u32 @!p5 s1, $0x7;
	s4 =	sadd.s32 @!p6 s4, s17;
	s2 =	sadd.s32 @!p5 s16, s2  }
0x128: {  	s1 =	sand.u32 @!p5 $0x380, s1;
	s4 =	sand.u32 @!p6 $0xFFF80000, s4;
	s2 =	sand.u32 @!p5 $0xFFF80000, s2  }
0x129: {  	s1 =	sor.u32 @!p5 s1, s2;
	s2 =	sor.u32 @!p6 s8, s4;
	s4 =	rddreg [dreg:$0x0]  }
0x12a: {  	s20 =	simm.s32 @!p4 $0x0;
	s1 =	smov.u32 @p5 s2;
	s2 =	rddreg [dreg:$0x1]  }
0x12b: {  	s2 =	smov.u32 @p5 s4;
	s23 =	sshrl.u32 @!p4 s1, $0x3;
	s4 =	simm.s32 @!p4 $0x400  }
.Ltmp11:
0x12c: {  	s1 =	sadd.s32 @!p4 s2, s23;
	s2 =	simm.s32 @!p4 $0x80;
	(pc) =	sbr.rel @p2 .LBB2_14-.Ltmp11, $4  }
0x12d: {  	[tilespmem:s20], [sflag:$0x1] =	stream.strided.gather @!p4 [hbm4b:s1+s2], $0x8000, s4, s2, $0x38;
	[tilespmem:$0x1E080] =	vst v63  }
0x12e: {  	_ =	swait.ge [sflag:s26], $0x8000  }
0x12f: {  	[sflag:s26] =	ssyncset.done $0x0  }
0x130: {  	[sflag:s26] =	ssyncadd.s32 $0xFFFF8000  }
0x131: {  	v2 =	vld [tilespmem:s10+$0x60]  }
0x132: {  	v4 =	vld [tilespmem:s10+$0xFFFFFF80]  }
0x133: {  	v5 =	vld [tilespmem:s10+$0xFFFFFF90]  }
0x134: {  	v6 =	vld [tilespmem:s10+$0xFFFFFFA0]  }
0x135: {  	v7 =	vld [tilespmem:s10+$0xFFFFFFB0]  }
0x136: {  	v9 =	vld [tilespmem:s10+$0xFFFFFFC0]  }
0x137: {  	v19 =	vld [tilespmem:s10+$0x0];
	v8 =	vand.u32 $0x7FFF, v2;
	v12 =	vand.u32 $0x8000, v4  }
0x138: {  	v25 =	vld [tilespmem:s10+$0x20];
	v11 =	vand.u32 $0x7FFF, v4;
	v13 =	vshrl.u32 v4, $0x12;
	v14 =	vand.u32 $0x8000, v5  }
0x139: {  	v29 =	vld [tilespmem:s10+$0x30];
	v15 =	vand.u32 $0x7FFF, v5;
	v18 =	vshrl.u32 v5, $0x12;
	v16 =	vand.u32 $0x8000, v6  }
0x13a: {  	s1 =	sand.u32 $0xFFFFFFF0, s19;
	v33 =	vld [tilespmem:s10+$0x40];
	v17 =	vand.u32 $0x7FFF, v6;
	v20 =	vand.u32 $0x8000, v2;
	v2 =	vshrl.u32 v2, $0x12  }
0x13b: {  	v3 =	vld [tilespmem:s1+$0x12080];
	v23 =	vand.u32 $0x7FFF, v9;
	v26 =	vand.u32 $0x8000, v7;
	v30 =	vand.u32 $0x8000, v9  }
0x13c: {  	v37 =	vld [tilespmem:s10+$0xFFFFFF70];
	v32 =	vand.u32 $0x7FFF, v19;
	v34 =	vshrl.u32 v6, $0x12;
	v36 =	vand.u32 $0x8000, v19  }
0x13d: {  	v4 =	vld [tilespmem:s10+$0xFFFFFFD0];
	v39 =	vshrl.u32 v7, $0x12;
	v40 =	vshrl.u32 v9, $0x12;
	v19 =	vshrl.u32 v19, $0x12  }
0x13e: {  	v5 =	vld [tilespmem:s10+$0xFFFFFFE0];
	v44 =	vand.u32 $0x8000, v25;
	v45 =	vand.u32 $0x7FFF, v25;
	v46 =	vand.u32 $0x8000, v29  }
0x13f: {  	v9 =	vld [tilespmem:s10+$0x50];
	v47 =	vand.u32 $0x7FFF, v29;
	v48 =	vshrl.u32 v25, $0x12;
	v25 =	vand.u32 $0x8000, v33  }
0x140: {  	v49 =	vand.u32 $0x7FFF, v33;
	v10 =	vand.u32 $0x7FFF, v3;
	v21 =	vand.u32 $0x8000, v3;
	v22 =	vld.idx.msk [tilespmem:v8+s24+$0x0], $0xffff  }
0x141: {  	vm1 =	vne.s32 v20, $0x0;
	v3 =	vshrl.u32 v3, $0x12;
	v20 =	vor.u32 v1, v2;
	v8 =	vld [tilespmem:s10+$0x10]  }
0x142: {  	vm10 =	vne.s32 v12, $0x0;
	v12 =	vand.u32 $0x7FFF, v37;
	vm11 =	vne.s32 v14, $0x0;
	v2 =	vld.idx.msk [tilespmem:v11+s24+$0x0], $0xffff  }
0x143: {  	vm0 =	vne.s32 v21, $0x0;
	v21 =	vand.u32 $0x7FFF, v7;
	v24 =	vor.u32 v1, v3;
	v3 =	vld.idx.msk [tilespmem:v15+s24+$0x0], $0xffff  }
0x144: {  	v27 =	vand.u32 $0x7FFF, v4;
	v31 =	vand.u32 $0x8000, v4;
	v41 =	vshrl.u32 v4, $0x12;
	v4 =	vld.idx.msk [tilespmem:v17+s24+$0x0], $0xffff  }
0x145: {  	vm9 =	vne.s32 v16, $0x0;
	vm13 =	vne.s32 v26, $0x0;
	v28 =	vand.u32 $0x7FFF, v5;
	v6 =	vld.idx.msk [tilespmem:v23+s24+$0x0], $0xffff  }
0x146: {  	v14 =	vand.u32 $0x8000, v9;
	v50 =	vand.u32 $0x7FFF, v9;
	v16 =	vshrl.u32 v9, $0x12;
	v9 =	vld.idx.msk [tilespmem:v32+s24+$0x0], $0xffff  }
0x147: {  	v35 =	vand.u32 $0x8000, v5;
	v42 =	vshrl.u32 v5, $0x12;
	v5 =	vand.u32 $0x8000, v37;
	v38 =	vld.idx.msk [tilespmem:v10+s24+$0x0], $0xffff  }
0x148: {  	vm12 =	vne.s32 v30, $0x0;
	vm5 =	vne.s32 v36, $0x0;
	vm7 =	vne.s32 v5, $0x0;
	v5 =	vld.idx.msk [tilespmem:v21+s24+$0x0], $0xffff  }
0x149: {  	vm3 =	vne.s32 v44, $0x0;
	vm2 =	vne.s32 v46, $0x0;
	v26 =	vor.u32 v1, v40;
	v7 =	vld.idx.msk [tilespmem:v27+s24+$0x0], $0xffff  }
0x14a: {  	s1 =	sadd.s32 $0x10, s30;
	v43 =	vand.u32 $0x8000, v8;
	v10 =	vand.u32 $0x7FFF, v8;
	v15 =	vshrl.u32 v8, $0x12;
	v8 =	vld.idx.msk [tilespmem:v28+s24+$0x0], $0xffff  }
0x14b: {  	p6 =	slt.s32 s1, s11;
	v11 =	vshrl.u32 v29, $0x12;
	v17 =	vshrl.u32 v33, $0x12;
	v29 =	vor.u32 v1, v18;
	[tilespmem:v20+s25+$0x0] =	vst.idx.msk vm1, v22;
	v22 =	vld.idx.msk [tilespmem:v12+s24+$0x0], $0xffff  }
.Ltmp12:
0x14c: {  	v18 =	vor.u32 v1, v48;
	vm8 =	vne.s32 v31, $0x0;
	v21 =	vshrl.u32 v37, $0x12;
	v12 =	vld.idx.msk [tilespmem:v45+s24+$0x0], $0xffff;
	(pc) =	sbr.rel @!p6 .LBB2_22-.Ltmp12, $4  }
0x14d: {  	v23 =	vor.u32 v1, v41;
	v27 =	vor.u32 v1, v21;
	vm1 =	vne.s32 v14, $0x0;
	v14 =	vld.idx.msk [tilespmem:v49+s24+$0x0], $0xffff  }
0x14e: {  	vm6 =	vne.s32 v35, $0x0;
	[tilespmem:v24+s25+$0x0] =	vst.idx.msk vm0, v38;
	vm0 =	vne.s32 v25, $0x0;
	v25 =	vor.u32 v1, v13;
	v13 =	vld.idx.msk [tilespmem:v47+s24+$0x0], $0xffff  }
0x14f: {  	v28 =	vor.u32 v1, v34;
	v20 =	vor.u32 v1, v19;
	v19 =	vor.u32 v1, v15;
	v15 =	vld.idx.msk [tilespmem:v50+s24+$0x0], $0xffff  }
0x150: {  	s4 =	sadd.s32 $0x100, s19;
	s2 =	sadd.s32 $0x100, s10;
	v21 =	vor.u32 v1, v42;
	vm4 =	vne.s32 v43, $0x0;
	v24 =	vor.u32 v1, v39;
	v10 =	vld.idx.msk [tilespmem:v10+s24+$0x0], $0xffff  }
.LBB2_21:
0x151: {  	s20 =	sand.u32 $0xFFFFFFF0, s4;
	v30 =	vld [tilespmem:s2+$0x60];
	s1 =	sadd.s32 $0x10, s1;
	v11 =	vor.u32 v1, v11;
	v17 =	vor.u32 v1, v17;
	v16 =	vor.u32 v1, v16  }
0x152: {  	v31 =	vld [tilespmem:s20+$0x12080];
	p6 =	slt.s32 s1, s11;
	[tilespmem:v27+s25+$0x0] =	vst.idx.msk vm7, v22  }
0x153: {  	v22 =	vld [tilespmem:s2+$0xFFFFFF80];
	[tilespmem:v25+s25+$0x0] =	vst.idx.msk vm10, v2  }
0x154: {  	v2 =	vld [tilespmem:s2+$0xFFFFFF90];
	[tilespmem:v29+s25+$0x0] =	vst.idx.msk vm11, v3  }
0x155: {  	v3 =	vld [tilespmem:s2+$0xFFFFFFA0];
	[tilespmem:v28+s25+$0x0] =	vst.idx.msk vm9, v4  }
0x156: {  	v4 =	vld [tilespmem:s2+$0xFFFFFFB0];
	v25 =	vand.u32 $0x7FFF, v30;
	[tilespmem:v24+s25+$0x0] =	vst.idx.msk vm13, v5  }
0x157: {  	v5 =	vld [tilespmem:s2+$0xFFFFFFC0];
	v24 =	vand.u32 $0x7FFF, v31;
	[tilespmem:v26+s25+$0x0] =	vst.idx.msk vm12, v6  }
0x158: {  	v26 =	vand.u32 $0x8000, v22;
	v6 =	vand.u32 $0x7FFF, v22;
	v28 =	vshrl.u32 v22, $0x12;
	v22 =	vld [tilespmem:s2+$0xFFFFFFD0];
	[tilespmem:v23+s25+$0x0] =	vst.idx.msk vm8, v7  }
0x159: {  	v23 =	vand.u32 $0x8000, v2;
	v7 =	vand.u32 $0x7FFF, v2;
	v29 =	vshrl.u32 v2, $0x12;
	v2 =	vld [tilespmem:s2+$0xFFFFFFE0];
	[tilespmem:v21+s25+$0x0] =	vst.idx.msk vm6, v8  }
0x15a: {  	v32 =	vand.u32 $0x8000, v30;
	v8 =	vand.u32 $0x8000, v3;
	v21 =	vand.u32 $0x7FFF, v3;
	v27 =	vld [tilespmem:s2+$0x0];
	[tilespmem:v20+s25+$0x0] =	vst.idx.msk vm5, v9  }
0x15b: {  	v9 =	vand.u32 $0x8000, v31;
	vm5 =	vne.s32 v32, $0x0;
	v20 =	vld.idx.msk [tilespmem:v25+s24+$0x0], $0xffff;
	v25 =	vshrl.u32 v30, $0x12;
	[tilespmem:v19+s25+$0x0] =	vst.idx.msk vm4, v10  }
0x15c: {  	v19 =	vshrl.u32 v31, $0x12;
	vm4 =	vne.s32 v9, $0x0;
	v10 =	vld.idx.msk [tilespmem:v24+s24+$0x0], $0xffff;
	v9 =	vor.u32 v1, v25;
	[tilespmem:v18+s25+$0x0] =	vst.idx.msk vm3, v12  }
0x15d: {  	v12 =	vand.u32 $0x7FFF, v4;
	v18 =	vand.u32 $0x7FFF, v5;
	v19 =	vor.u32 v1, v19;
	v24 =	vld [tilespmem:s2+$0x10];
	[tilespmem:v11+s25+$0x0] =	vst.idx.msk vm2, v13  }
0x15e: {  	v13 =	vand.u32 $0x8000, v4;
	v25 =	vand.u32 $0x7FFF, v22;
	v30 =	vand.u32 $0x7FFF, v2;
	v11 =	vld [tilespmem:s2+$0x20];
	[tilespmem:v17+s25+$0x0] =	vst.idx.msk vm0, v14  }
0x15f: {  	v31 =	vand.u32 $0x8000, v22;
	v14 =	vand.u32 $0x8000, v5;
	v32 =	vand.u32 $0x7FFF, v27;
	v17 =	vld [tilespmem:s2+$0x30];
	[tilespmem:v16+s25+$0x0] =	vst.idx.msk vm1, v15  }
0x160: {  	v33 =	vand.u32 $0x8000, v2;
	v15 =	vshrl.u32 v3, $0x12;
	v34 =	vand.u32 $0x8000, v27;
	v16 =	vld [tilespmem:s2+$0x40]  }
0x161: {  	v35 =	vshrl.u32 v4, $0x12;
	v36 =	vshrl.u32 v5, $0x12;
	v37 =	vshrl.u32 v22, $0x12;
	v22 =	vld [tilespmem:s2+$0x50];
	[tilespmem:v9+s25+$0x0] =	vst.idx.msk vm5, v20  }
0x162: {  	v20 =	vshrl.u32 v2, $0x12;
	v9 =	vld [tilespmem:s2+$0xFFFFFF70];
	[tilespmem:v19+s25+$0x0] =	vst.idx.msk vm4, v10;
	v19 =	vand.u32 $0x8000, v24;
	v10 =	vand.u32 $0x7FFF, v24  }
0x163: {  	v38 =	vshrl.u32 v27, $0x12;
	v2 =	vld.idx.msk [tilespmem:v6+s24+$0x0], $0xffff;
	v27 =	vand.u32 $0x8000, v11;
	v39 =	vand.u32 $0x7FFF, v11  }
0x164: {  	v40 =	vshrl.u32 v24, $0x12;
	v3 =	vld.idx.msk [tilespmem:v7+s24+$0x0], $0xffff;
	v24 =	vand.u32 $0x8000, v17;
	v41 =	vand.u32 $0x7FFF, v17  }
0x165: {  	v42 =	vshrl.u32 v11, $0x12;
	v4 =	vld.idx.msk [tilespmem:v21+s24+$0x0], $0xffff;
	v21 =	vand.u32 $0x8000, v16;
	v43 =	vand.u32 $0x7FFF, v16  }
0x166: {  	v11 =	vshrl.u32 v17, $0x12;
	v5 =	vld.idx.msk [tilespmem:v12+s24+$0x0], $0xffff;
	v44 =	vand.u32 $0x8000, v22;
	v45 =	vand.u32 $0x7FFF, v22  }
0x167: {  	v7 =	vand.u32 $0x8000, v9;
	v12 =	vand.u32 $0x7FFF, v9;
	v46 =	vshrl.u32 v9, $0x12;
	v6 =	vld.idx.msk [tilespmem:v18+s24+$0x0], $0xffff  }
0x168: {  	v17 =	vshrl.u32 v16, $0x12;
	v16 =	vshrl.u32 v22, $0x12;
	vm7 =	vne.s32 v7, $0x0;
	v7 =	vld.idx.msk [tilespmem:v25+s24+$0x0], $0xffff  }
0x169: {  	vm10 =	vne.s32 v26, $0x0;
	vm11 =	vne.s32 v23, $0x0;
	vm9 =	vne.s32 v8, $0x0;
	v8 =	vld.idx.msk [tilespmem:v30+s24+$0x0], $0xffff  }
0x16a: {  	vm13 =	vne.s32 v13, $0x0;
	vm8 =	vne.s32 v31, $0x0;
	vm12 =	vne.s32 v14, $0x0;
	v9 =	vld.idx.msk [tilespmem:v32+s24+$0x0], $0xffff  }
0x16b: {  	vm6 =	vne.s32 v33, $0x0;
	vm5 =	vne.s32 v34, $0x0;
	vm4 =	vne.s32 v19, $0x0;
	v10 =	vld.idx.msk [tilespmem:v10+s24+$0x0], $0xffff  }
.Ltmp13:
0x16c: {  	vm3 =	vne.s32 v27, $0x0;
	vm2 =	vne.s32 v24, $0x0;
	vm0 =	vne.s32 v21, $0x0;
	v22 =	vld.idx.msk [tilespmem:v12+s24+$0x0], $0xffff;
	(pc) =	sbr.rel @p6 .LBB2_21-.Ltmp13, $4  }
0x16d: {  	vm1 =	vne.s32 v44, $0x0;
	v27 =	vor.u32 v1, v46;
	v25 =	vor.u32 v1, v28;
	v12 =	vld.idx.msk [tilespmem:v39+s24+$0x0], $0xffff  }
0x16e: {  	v29 =	vor.u32 v1, v29;
	v24 =	vor.u32 v1, v35;
	v28 =	vor.u32 v1, v15;
	v13 =	vld.idx.msk [tilespmem:v41+s24+$0x0], $0xffff  }
0x16f: {  	v26 =	vor.u32 v1, v36;
	v23 =	vor.u32 v1, v37;
	v21 =	vor.u32 v1, v20;
	v14 =	vld.idx.msk [tilespmem:v43+s24+$0x0], $0xffff  }
0x170: {  	s4 =	sadd.s32 $0x100, s4;
	s2 =	sadd.s32 $0x100, s2;
	v19 =	vor.u32 v1, v40;
	v20 =	vor.u32 v1, v38;
	v18 =	vor.u32 v1, v42;
	v15 =	vld.idx.msk [tilespmem:v45+s24+$0x0], $0xffff  }
.LBB2_22:
0x171: {  	_ =	sdelay $0x4  }
0x172: {  	[tilespmem:v27+s25+$0x0] =	vst.idx.msk vm7, v22  }
0x173: {  	[tilespmem:v25+s25+$0x0] =	vst.idx.msk vm10, v2  }
0x174: {  	[tilespmem:v29+s25+$0x0] =	vst.idx.msk vm11, v3  }
0x175: {  	[tilespmem:v28+s25+$0x0] =	vst.idx.msk vm9, v4  }
0x176: {  	[tilespmem:v24+s25+$0x0] =	vst.idx.msk vm13, v5  }
0x177: {  	[tilespmem:v26+s25+$0x0] =	vst.idx.msk vm12, v6  }
0x178: {  	v2 =	vor.u32 v1, v11;
	[tilespmem:v23+s25+$0x0] =	vst.idx.msk vm8, v7  }
0x179: {  	v3 =	vor.u32 v1, v17;
	[tilespmem:v21+s25+$0x0] =	vst.idx.msk vm6, v8  }
0x17a: {  	v63 =	vor.u32 v1, v16;
	[tilespmem:v20+s25+$0x0] =	vst.idx.msk vm5, v9  }
0x17b: {  	[tilespmem:v18+s25+$0x0] =	vst.idx.msk vm3, v12  }
0x17c: {  	[tilespmem:v19+s25+$0x0] =	vst.idx.msk vm4, v10  }
0x17d: {  	[tilespmem:v2+s25+$0x0] =	vst.idx.msk vm2, v13  }
0x17e: {  	[tilespmem:v3+s25+$0x0] =	vst.idx.msk vm0, v14  }
0x17f: {  	[tilespmem:v63+s25+$0x0] =	vst.idx.msk vm1, v15  }
.LBB2_14:
.Ltmp14:
0x180: {  	(pc) =	sbr.rel @p3 .LBB2_17-.Ltmp14, $1  }
0x181: {  	_ =	sdelay $0x3  }
0x182: {  	s1 =	smov.u32 s13;
	s2 =	smov.u32 s0  }
.LBB2_16:
0x183: {  	v2 =	vld [tilespmem:s1+$0x0];
	_ =	sdelay $0x4  }
0x184: {  	v3 =	vand.u32 $0x7FFF, v2;
	_ =	sdelay $0x2  }
0x185: {  	v4 =	vand.u32 $0x8000, v2  }
0x186: {  	v2 =	vshrl.u32 v2, $0x12;
	vm0 =	vne.s32 v4, $0x0  }
0x187: {  	p6 =	sne.s32 s2, $0x1;
	v2 =	vor.u32 v1, v2;
	v3 =	vld.idx.msk [tilespmem:v3+s24+$0x0], $0xffff  }
.Ltmp15:
0x188: {  	_ = 	snop;
	(pc) =	sbr.rel @p6 .LBB2_16-.Ltmp15, $2  }
0x189: {  	_ =	sdelay $0x2  }
0x18a: {  	s1 =	sadd.s32 $0x10, s1;
	s2 =	sadd.s32 $0xFFFFFFFF, s2;
	[tilespmem:v2+s25+$0x0] =	vst.idx.msk vm0, v3  }
.Ltmp16:
0x18b: {  	_ = 	snop;
	(pc) =	sbr.rel .LBB2_17-.Ltmp16, $1  }
0x18c: {  	_ =	sdelay $0x3  }
.LBB2_19:
0x18d: {  	_ =	sfence.sel $0x180000  }
0x18e: {  	[bflag:$0x0] =	sbarrier.arrive $0xFFFF  }
0x18f: {  	_ =	strace $0x90000047  }
0x190: {  	s0 =	stileid.u32;
	[bflag:$0x2] =	sbarrier.arrive $0xFFFF  }
0x191: {  	p0 =	sne.s32 s0, $0x0;
	s0 =	rddreg [dreg:$0x4]  }
0x192: {  	s0 =	sadd.s32 @!p0 $0x100000, s0  }
0x193: {  	[sflag:s0] =	ssyncadd.tile.s32 @!p0 $0x1;
	_ =	shalt  }
.Lfunc_end2:
_tile_overlayer_lowered:
.L_overlay_start_2:
0x194: {  	(tag) =	ssettag $0x2  }
0x195: {  	s0 =	rddreg [dreg:$0x0];
	s2 =	stileid.u32  }
0x196: {  	s1 =	rddreg [dreg:$0x1];
	p0 =	sne.s32 s2, $0x0  }
0x197: {  	s3 =	rddreg [dreg:$0x2];
	[bflag:$0x3] =	sbarrier.arrive $0xFFFF;
	s2 =	simm.s32 @!p0 $0x1C04  }
0x198: {  	[timem:s3], [sflag:s2] =	dma.local @!p0 [hbm:s0], s1  }
0x199: {  	s0 =	simm.s32 @!p0 $0x4  }
0x19a: {  	_ =	swait.ge @!p0 [sflag:s0], s1  }
0x19b: {  	s1 =	ssub.s32 @!p0 $0x0, s1;
	[sflag:s0] =	ssyncset.done @!p0 $0x0  }
0x19c: {  	[sflag:s0] =	ssyncadd.s32 @!p0 s1  }
0x19d: {  	[bflag:$0x3] =	sbarrier.arrive $0xFFFF  }
0x19e: {  	_ =	shalt  }

</sc_bundles>
